<compile_context>
chip_gen: v7x
topology: tpu7x:2x2x1
jax: 0.10.2.dev20260603
libtpu: 0.0.44.dev20260713+nightly
codegen_flags: <defaults>
</compile_context>

<pallas_src>
import jax
import jax.numpy as jnp
from jax import lax
from jax.experimental import pallas as pl
from jax.experimental.pallas import tpu as pltpu
from jax.experimental.pallas import tpu_sc as plsc

N = 10000
NPAD = 10240
D = 128
E = 320000
EPAD = 327680
NC = 2
NS = 16
NW = NC * NS
C = 128
NCHUNK = EPAD // C
BPT = NCHUNK // NW
RPT = NPAD // NS
ZR = 64
ZSM = 16
BLK = 2000
NBLK = N // BLK


def _fill_f32(ref, nrows, val):
    v = jnp.full((16,), val, jnp.float32)

    def body(i, carry):
        for j in range(ref.shape[1] // 16):
            ref[i, pl.ds(j * 16, 16)] = v
        return carry

    lax.fori_loop(0, nrows, body, 0)



def _sc_deg_body(col_hbm, deg_hbm, col_v, dst_v, ones_v, z_v, deg_sm, sem):
    c = lax.axis_index("c")
    s = lax.axis_index("s")
    base_chunk = (c * NS + s) * BPT

    pltpu.sync_copy(col_hbm.at[pl.ds(base_chunk, BPT)], col_v)
    _fill_f32(ones_v, C, 1.0)
    _fill_f32(z_v, ZR, 0.0)
    for i in range(RPT // ZR):
        pltpu.sync_copy(z_v, deg_sm.at[pl.ds(s * RPT + i * ZR, ZR)])
    plsc.subcore_barrier()

    def batch(b, carry):
        for k in range(C // 16):
            dst_v[pl.ds(k * 16, 16)] = col_v[b, pl.ds(k * 16, 16)]
        pltpu.sync_copy(ones_v, deg_sm.at[dst_v], add=True)
        return carry

    lax.fori_loop(0, BPT, batch, 0)
    plsc.subcore_barrier()
    pltpu.sync_copy(deg_sm.at[pl.ds(s * RPT, RPT)],
                    deg_hbm.at[c, pl.ds(s * RPT, RPT)])


@jax.jit
def _sc_deg(col2d):
    mesh = plsc.VectorSubcoreMesh(core_axis_name="c", subcore_axis_name="s")
    return pl.kernel(
        _sc_deg_body,
        out_type=jax.ShapeDtypeStruct((NC, NPAD, D), jnp.float32),
        mesh=mesh,
        scratch_types=[
            pltpu.VMEM((BPT, C), jnp.int32),
            pltpu.VMEM((C,), jnp.int32),
            pltpu.VMEM((C, D), jnp.float32),
            pltpu.VMEM((ZR, D), jnp.float32),
            pltpu.VMEM_SHARED((NPAD, D), jnp.float32),
            pltpu.SemaphoreType.DMA,
        ],
    )(col2d)



def _sc_agg_body(pre_hbm, row_hbm, col_hbm, out_hbm,
                 idx0_v, idx1_v, dst0_v, dst1_v,
                 rows0_v, rows1_v, z_v, acc_sm,
                 semg0, semg1, semi0, semi1):
    c = lax.axis_index("c")
    s = lax.axis_index("s")
    base_e = (c * NS + s) * BPT * C

    _fill_f32(z_v, ZSM, 0.0)
    for i in range(RPT // ZSM):
        pltpu.sync_copy(z_v, acc_sm.at[pl.ds(s * RPT + i * ZSM, ZSM)])
    plsc.subcore_barrier()

    idx_bufs = (idx0_v, idx1_v)
    dst_bufs = (dst0_v, dst1_v)
    rows_bufs = (rows0_v, rows1_v)
    semg = (semg0, semg1)
    semi = (semi0, semi1)

    def fire_idx(b, j):
        pltpu.async_copy(row_hbm.at[pl.ds(base_e + b * C, C)],
                         idx_bufs[j], semi[j])
        pltpu.async_copy(col_hbm.at[pl.ds(base_e + b * C, C)],
                         dst_bufs[j], semi[j])

    def wait_idx(j):
        pltpu.make_async_copy(row_hbm.at[pl.ds(base_e, C)],
                              idx_bufs[j], semi[j]).wait()
        pltpu.make_async_copy(col_hbm.at[pl.ds(base_e, C)],
                              dst_bufs[j], semi[j]).wait()

    def fire_g(j):
        pltpu.async_copy(pre_hbm.at[idx_bufs[j]], rows_bufs[j], semg[j])

    def wait_g(j):
        pltpu.make_async_copy(pre_hbm.at[idx_bufs[j]], rows_bufs[j],
                              semg[j]).wait()

    last = BPT - 1
    fire_idx(0, 0)
    wait_idx(0)
    fire_g(0)
    fire_idx(1, 1)
    wait_idx(1)
    fire_g(1)

    def pair(g, carry):
        b0 = g * 2
        wait_g(0)
        pltpu.sync_copy(rows_bufs[0], acc_sm.at[dst_bufs[0]], add=True)
        fire_idx(jnp.minimum(b0 + 2, last), 0)
        wait_idx(0)
        fire_g(0)
        wait_g(1)
        pltpu.sync_copy(rows_bufs[1], acc_sm.at[dst_bufs[1]], add=True)
        fire_idx(jnp.minimum(b0 + 3, last), 1)
        wait_idx(1)
        fire_g(1)
        return carry

    lax.fori_loop(0, BPT // 2, pair, 0)
    wait_g(0)
    wait_g(1)

    plsc.subcore_barrier()
    pltpu.sync_copy(acc_sm.at[pl.ds(s * RPT, RPT)],
                    out_hbm.at[c, pl.ds(s * RPT, RPT)])


@jax.jit
def _sc_agg(pre, row1d, col1d):
    mesh = plsc.VectorSubcoreMesh(core_axis_name="c", subcore_axis_name="s")
    return pl.kernel(
        _sc_agg_body,
        out_type=jax.ShapeDtypeStruct((NC, NPAD, D), jnp.float32),
        mesh=mesh,
        scratch_types=[
            pltpu.VMEM((C,), jnp.int32),
            pltpu.VMEM((C,), jnp.int32),
            pltpu.VMEM((C,), jnp.int32),
            pltpu.VMEM((C,), jnp.int32),
            pltpu.VMEM((C, D), jnp.float32),
            pltpu.VMEM((C, D), jnp.float32),
            pltpu.VMEM((ZSM, D), jnp.float32),
            pltpu.VMEM_SHARED((NPAD, D), jnp.float32),
            pltpu.SemaphoreType.DMA,
            pltpu.SemaphoreType.DMA,
            pltpu.SemaphoreType.DMA,
            pltpu.SemaphoreType.DMA,
        ],
    )(pre, row1d, col1d)



def _tc_prep_body(deg_ref, x_ref, w_ref, dinv_ref, pre_ref):
    dinvb = lax.rsqrt(deg_ref[0] + deg_ref[1] + 1.0)
    dinv_ref[...] = dinvb
    pre_ref[...] = dinvb * jnp.dot(x_ref[...], w_ref[...],
                                   preferred_element_type=jnp.float32)


@jax.jit
def _tc_prep(deg, x, W1):
    return pl.pallas_call(
        _tc_prep_body,
        grid=(NBLK,),
        in_specs=[
            pl.BlockSpec((NC, BLK, D), lambda i: (0, i, 0)),
            pl.BlockSpec((BLK, D), lambda i: (i, 0)),
            pl.BlockSpec((D, D), lambda i: (0, 0)),
        ],
        out_specs=[
            pl.BlockSpec((BLK, D), lambda i: (i, 0)),
            pl.BlockSpec((BLK, D), lambda i: (i, 0)),
        ],
        out_shape=[
            jax.ShapeDtypeStruct((N, D), jnp.float32),
            jax.ShapeDtypeStruct((N, D), jnp.float32),
        ],
    )(deg, x, W1)


def _tc_mid_body(acc_ref, pre_ref, dinv_ref, b_ref, w_ref, out_ref):
    agg = acc_ref[0] + acc_ref[1] + pre_ref[...]
    h = jnp.maximum(dinv_ref[...] * agg + b_ref[...], 0.0)
    out_ref[...] = dinv_ref[...] * jnp.dot(h, w_ref[...],
                                           preferred_element_type=jnp.float32)


@jax.jit
def _tc_mid(acc, pre, dinvb, b1, W2):
    return pl.pallas_call(
        _tc_mid_body,
        grid=(NBLK,),
        in_specs=[
            pl.BlockSpec((NC, BLK, D), lambda i: (0, i, 0)),
            pl.BlockSpec((BLK, D), lambda i: (i, 0)),
            pl.BlockSpec((BLK, D), lambda i: (i, 0)),
            pl.BlockSpec((1, D), lambda i: (0, 0)),
            pl.BlockSpec((D, D), lambda i: (0, 0)),
        ],
        out_specs=pl.BlockSpec((BLK, D), lambda i: (i, 0)),
        out_shape=jax.ShapeDtypeStruct((N, D), jnp.float32),
    )(acc, pre, dinvb, b1, W2)


def _tc_final_body(acc_ref, pre_ref, dinv_ref, b_ref, out_ref):
    agg = acc_ref[0] + acc_ref[1] + pre_ref[...]
    out_ref[...] = dinv_ref[...] * agg + b_ref[...]


@jax.jit
def _tc_final(acc, pre, dinvb, b2):
    return pl.pallas_call(
        _tc_final_body,
        grid=(NBLK,),
        in_specs=[
            pl.BlockSpec((NC, BLK, D), lambda i: (0, i, 0)),
            pl.BlockSpec((BLK, D), lambda i: (i, 0)),
            pl.BlockSpec((BLK, D), lambda i: (i, 0)),
            pl.BlockSpec((1, D), lambda i: (0, 0)),
        ],
        out_specs=pl.BlockSpec((BLK, D), lambda i: (i, 0)),
        out_shape=jax.ShapeDtypeStruct((N, D), jnp.float32),
    )(acc, pre, dinvb, b2)



def kernel(x, edge_index, W1, b1, W2, b2):
    npad_e = EPAD - E
    row = jnp.concatenate([edge_index[0], jnp.zeros((npad_e,), jnp.int32)])
    col = jnp.concatenate([edge_index[1], jnp.full((npad_e,), N, jnp.int32)])
    col2d = col.reshape(NCHUNK, C)

    deg = _sc_deg(col2d)
    dinvb, pre1 = _tc_prep(deg[:, :N, :], x, W1)
    acc1 = _sc_agg(pre1, row, col)
    pre2 = _tc_mid(acc1[:, :N], pre1, dinvb, b1.reshape(1, D), W2)
    acc2 = _sc_agg(pre2, row, col)
    return _tc_final(acc2[:, :N], pre2, dinvb, b2.reshape(1, D))

# --- scband reference (transcript-rebuilt; emitter-appended) ---
"""Pipeline reference for scband-gcn-3728031613302 (READ-ONLY COPY).

The authoritative reference and input builder live on the scoring server;
editing this copy changes nothing except your own understanding.
"""

import jax, jax.numpy as jnp
import numpy as np

N = 10000
E = 320000
D_IN = 128
D_H = 128
D_OUT = 128


def setup_inputs(seed: int = 0) -> dict:
    key = jax.random.key(seed)
    ks = jax.random.split(key, 6)
    x = jax.random.normal(ks[0], (N, D_IN), dtype=jnp.float32)
    edge_index = jax.random.randint(ks[1], (2, E), 0, N, dtype=jnp.int32)
    s1 = 1.0 / np.sqrt(D_IN)
    s2 = 1.0 / np.sqrt(D_H)
    W1 = jax.random.uniform(ks[2], (D_IN, D_H), dtype=jnp.float32, minval=-s1, maxval=s1)
    b1 = jnp.zeros((D_H,), dtype=jnp.float32)
    W2 = jax.random.uniform(ks[3], (D_H, D_OUT), dtype=jnp.float32, minval=-s2, maxval=s2)
    b2 = jnp.zeros((D_OUT,), dtype=jnp.float32)
    return {"x": x, "edge_index": edge_index, "W1": W1, "b1": b1, "W2": W2, "b2": b2}


def gcn_conv(x, W, b, row, col, n):
    # X' = D^{-1/2} (A + I) D^{-1/2} X W + b  (PyG GCNConv with add_self_loops, symmetric norm)
    xw = x @ W
    loop = jnp.arange(n, dtype=row.dtype)
    r = jnp.concatenate([row, loop])
    c = jnp.concatenate([col, loop])
    w = jnp.ones((r.shape[0],), dtype=x.dtype)
    deg = jnp.zeros((n,), dtype=x.dtype).at[c].add(w)
    dinv = jnp.where(deg > 0, 1.0 / jnp.sqrt(deg), 0.0)
    norm = dinv[r] * w * dinv[c]
    msg = jnp.take(xw, r, axis=0) * norm[:, None]
    out = jnp.zeros((n, W.shape[1]), dtype=x.dtype).at[c].add(msg)
    return out + b


def reference(x, edge_index, W1, b1, W2, b2):
    row = edge_index[0]
    col = edge_index[1]
    n = x.shape[0]
    h = jax.nn.relu(gcn_conv(x, W1, b1, row, col, n))
    # F.dropout at inference (eval mode) is identity
    out = gcn_conv(h, W2, b2, row, col, n)
    return out

if __name__ == "__main__":
    import jax
    _d = setup_inputs()
    print(jax.jit(kernel)(*tuple(_d.values())))

</pallas_src>

<mosaic_0001>
#map = affine_map<(d0, d1) -> (0, 0)>
#map1 = affine_map<(d0, d1) -> (0, 0, 0)>
module attributes {stable_mosaic.version = 14 : i64} {
  func.func @_sc_deg_body(%arg0: i32, %arg1: i32, %arg2: memref<2560x128xi32, #tpu.memory_space<hbm>>, %arg3: memref<2x10240x128xf32, #tpu.memory_space<hbm>>, %arg4: memref<80x128xi32, #tpu.memory_space<vmem>>, %arg5: memref<128xi32, #tpu.memory_space<vmem>>, %arg6: memref<128x128xf32, #tpu.memory_space<vmem>>, %arg7: memref<64x128xf32, #tpu.memory_space<vmem>>, %arg8: memref<10240x128xf32, #tpu.memory_space<vmem_shared>>, %arg9: memref<!tpu.dma_semaphore, #tpu.memory_space<semaphore_mem>>) attributes {dimension_semantics = [#tpu.dimension_semantics<core_parallel>, #tpu.dimension_semantics<subcore_parallel>], iteration_bounds = array<i64: 2, 16>, scalar_prefetch = 0 : i64, scratch_operands = 6 : i64, tpu.core_type = #tpu.core_type<sc_vector_subcore>, window_params = [{transform_indices = #map}, {transform_indices = #map1}]} {
    %mul3A = arith.constant 16 : i32
    %mul3A_0 = arith.muli %arg0, %mul3A : i32
    %add3A = arith.addi %mul3A_0, %arg1 : i32
    %mul3A_1 = arith.constant 80 : i32
    %mul3A_2 = arith.muli %add3A, %mul3A_1 : i32
    "tpu.region"() ({
      %run_scoped3A = tpu.sem_alloc : memref<!tpu.dma_semaphore, #tpu.memory_space<semaphore_mem>>
      %dma_start3A = arith.constant 0 : i32
      %dma_start3A_68 = tpu.memref_slice %arg2[%mul3A_2, %dma_start3A] : memref<2560x128xi32, #tpu.memory_space<hbm>> -> memref<80x128xi32, #tpu.memory_space<hbm>>
      %dma_start3A_69 = arith.constant 0 : i32
      %dma_start3A_70 = tpu.memref_slice %arg2[%mul3A_2, %dma_start3A_69] : memref<2560x128xi32, #tpu.memory_space<hbm>> -> memref<80x128xi32, #tpu.memory_space<hbm>>
      tpu.enqueue_dma source(%dma_start3A_70 : memref<80x128xi32, #tpu.memory_space<hbm>>) target(%arg4 : memref<80x128xi32, #tpu.memory_space<vmem>>) target_semaphore(%run_scoped3A : memref<!tpu.dma_semaphore, #tpu.memory_space<semaphore_mem>>)
      %dma_wait3A = arith.constant 0 : i32
      %dma_wait3A_71 = tpu.memref_slice %arg2[%mul3A_2, %dma_wait3A] : memref<2560x128xi32, #tpu.memory_space<hbm>> -> memref<80x128xi32, #tpu.memory_space<hbm>>
      %dma_wait3A_72 = arith.constant 0 : i32
      %dma_wait3A_73 = tpu.memref_slice %arg2[%mul3A_2, %dma_wait3A_72] : memref<2560x128xi32, #tpu.memory_space<hbm>> -> memref<80x128xi32, #tpu.memory_space<hbm>>
      tpu.wait_dma2 semaphore(%run_scoped3A : memref<!tpu.dma_semaphore, #tpu.memory_space<semaphore_mem>>) src(%dma_wait3A_73 : memref<80x128xi32, #tpu.memory_space<hbm>>) dst(%arg4 : memref<80x128xi32, #tpu.memory_space<vmem>>)
      tpu.yield
    }) : () -> ()
    %broadcast_in_dim3A = arith.constant 1.000000e+00 : f32
    %broadcast_in_dim3A_3 = vector.broadcast %broadcast_in_dim3A : f32 to vector<16xf32>
    %scan3A = arith.constant 0 : i32
    %scan3A_4 = arith.constant 0 : i32
    %scan3A_5 = arith.constant 128 : i32
    %scan3A_6 = arith.addi %scan3A_4, %scan3A_5 : i32
    %scan3A_7 = arith.constant 1 : i32
    scf.for %scan3A_68 = %scan3A_4 to %scan3A_6 step %scan3A_7  : i32 {
      %swap3A = arith.index_cast %scan3A_68 : i32 to index
      %swap3A_69 = arith.constant 0 : index
      %swap3A_70 = tpu.vector_load %arg6[%swap3A, %swap3A_69] {strides = array<i32>} : memref<128x128xf32, #tpu.memory_space<vmem>>, vector<1x16xf32>,
      %swap3A_71 = vector.shape_cast %swap3A_70 : vector<1x16xf32> to vector<16xf32>
      %swap3A_72 = vector.shape_cast %broadcast_in_dim3A_3 : vector<16xf32> to vector<1x16xf32>
      tpu.vector_store %arg6[%swap3A, %swap3A_69], %swap3A_72 {strides = array<i32>} : memref<128x128xf32, #tpu.memory_space<vmem>>, vector<1x16xf32>,
      %swap3A_73 = arith.index_cast %scan3A_68 : i32 to index
      %swap3A_74 = arith.constant 16 : index
      %swap3A_75 = tpu.vector_load %arg6[%swap3A_73, %swap3A_74] {strides = array<i32>} : memref<128x128xf32, #tpu.memory_space<vmem>>, vector<1x16xf32>,
      %swap3A_76 = vector.shape_cast %swap3A_75 : vector<1x16xf32> to vector<16xf32>
      %swap3A_77 = vector.shape_cast %broadcast_in_dim3A_3 : vector<16xf32> to vector<1x16xf32>
      tpu.vector_store %arg6[%swap3A_73, %swap3A_74], %swap3A_77 {strides = array<i32>} : memref<128x128xf32, #tpu.memory_space<vmem>>, vector<1x16xf32>,
      %swap3A_78 = arith.index_cast %scan3A_68 : i32 to index
      %swap3A_79 = arith.constant 32 : index
      %swap3A_80 = tpu.vector_load %arg6[%swap3A_78, %swap3A_79] {strides = array<i32>} : memref<128x128xf32, #tpu.memory_space<vmem>>, vector<1x16xf32>,
      %swap3A_81 = vector.shape_cast %swap3A_80 : vector<1x16xf32> to vector<16xf32>
      %swap3A_82 = vector.shape_cast %broadcast_in_dim3A_3 : vector<16xf32> to vector<1x16xf32>
      tpu.vector_store %arg6[%swap3A_78, %swap3A_79], %swap3A_82 {strides = array<i32>} : memref<128x128xf32, #tpu.memory_space<vmem>>, vector<1x16xf32>,
      %swap3A_83 = arith.index_cast %scan3A_68 : i32 to index
      %swap3A_84 = arith.constant 48 : index
      %swap3A_85 = tpu.vector_load %arg6[%swap3A_83, %swap3A_84] {strides = array<i32>} : memref<128x128xf32, #tpu.memory_space<vmem>>, vector<1x16xf32>,
      %swap3A_86 = vector.shape_cast %swap3A_85 : vector<1x16xf32> to vector<16xf32>
      %swap3A_87 = vector.shape_cast %broadcast_in_dim3A_3 : vector<16xf32> to vector<1x16xf32>
      tpu.vector_store %arg6[%swap3A_83, %swap3A_84], %swap3A_87 {strides = array<i32>} : memref<128x128xf32, #tpu.memory_space<vmem>>, vector<1x16xf32>,
      %swap3A_88 = arith.index_cast %scan3A_68 : i32 to index
      %swap3A_89 = arith.constant 64 : index
      %swap3A_90 = tpu.vector_load %arg6[%swap3A_88, %swap3A_89] {strides = array<i32>} : memref<128x128xf32, #tpu.memory_space<vmem>>, vector<1x16xf32>,
      %swap3A_91 = vector.shape_cast %swap3A_90 : vector<1x16xf32> to vector<16xf32>
      %swap3A_92 = vector.shape_cast %broadcast_in_dim3A_3 : vector<16xf32> to vector<1x16xf32>
      tpu.vector_store %arg6[%swap3A_88, %swap3A_89], %swap3A_92 {strides = array<i32>} : memref<128x128xf32, #tpu.memory_space<vmem>>, vector<1x16xf32>,
      %swap3A_93 = arith.index_cast %scan3A_68 : i32 to index
      %swap3A_94 = arith.constant 80 : index
      %swap3A_95 = tpu.vector_load %arg6[%swap3A_93, %swap3A_94] {strides = array<i32>} : memref<128x128xf32, #tpu.memory_space<vmem>>, vector<1x16xf32>,
      %swap3A_96 = vector.shape_cast %swap3A_95 : vector<1x16xf32> to vector<16xf32>
      %swap3A_97 = vector.shape_cast %broadcast_in_dim3A_3 : vector<16xf32> to vector<1x16xf32>
      tpu.vector_store %arg6[%swap3A_93, %swap3A_94], %swap3A_97 {strides = array<i32>} : memref<128x128xf32, #tpu.memory_space<vmem>>, vector<1x16xf32>,
      %swap3A_98 = arith.index_cast %scan3A_68 : i32 to index
      %swap3A_99 = arith.constant 96 : index
      %swap3A_100 = tpu.vector_load %arg6[%swap3A_98, %swap3A_99] {strides = array<i32>} : memref<128x128xf32, #tpu.memory_space<vmem>>, vector<1x16xf32>,
      %swap3A_101 = vector.shape_cast %swap3A_100 : vector<1x16xf32> to vector<16xf32>
      %swap3A_102 = vector.shape_cast %broadcast_in_dim3A_3 : vector<16xf32> to vector<1x16xf32>
      tpu.vector_store %arg6[%swap3A_98, %swap3A_99], %swap3A_102 {strides = array<i32>} : memref<128x128xf32, #tpu.memory_space<vmem>>, vector<1x16xf32>,
      %swap3A_103 = arith.index_cast %scan3A_68 : i32 to index
      %swap3A_104 = arith.constant 112 : index
      %swap3A_105 = tpu.vector_load %arg6[%swap3A_103, %swap3A_104] {strides = array<i32>} : memref<128x128xf32, #tpu.memory_space<vmem>>, vector<1x16xf32>,
      %swap3A_106 = vector.shape_cast %swap3A_105 : vector<1x16xf32> to vector<16xf32>
      %swap3A_107 = vector.shape_cast %broadcast_in_dim3A_3 : vector<16xf32> to vector<1x16xf32>
      tpu.vector_store %arg6[%swap3A_103, %swap3A_104], %swap3A_107 {strides = array<i32>} : memref<128x128xf32, #tpu.memory_space<vmem>>, vector<1x16xf32>,
    }
    %scan3A_8 = arith.constant 128 : i32
    %broadcast_in_dim3A_9 = arith.constant 0.000000e+00 : f32
    %broadcast_in_dim3A_10 = vector.broadcast %broadcast_in_dim3A_9 : f32 to vector<16xf32>
    %scan3A_11 = arith.constant 0 : i32
    %scan3A_12 = arith.constant 0 : i32
    %scan3A_13 = arith.constant 64 : i32
    %scan3A_14 = arith.addi %scan3A_12, %scan3A_13 : i32
    %scan3A_15 = arith.constant 1 : i32
    scf.for %scan3A_68 = %scan3A_12 to %scan3A_14 step %scan3A_15  : i32 {
      %swap3A = arith.index_cast %scan3A_68 : i32 to index
      %swap3A_69 = arith.constant 0 : index
      %swap3A_70 = tpu.vector_load %arg7[%swap3A, %swap3A_69] {strides = array<i32>} : memref<64x128xf32, #tpu.memory_space<vmem>>, vector<1x16xf32>,
      %swap3A_71 = vector.shape_cast %swap3A_70 : vector<1x16xf32> to vector<16xf32>
      %swap3A_72 = vector.shape_cast %broadcast_in_dim3A_10 : vector<16xf32> to vector<1x16xf32>
      tpu.vector_store %arg7[%swap3A, %swap3A_69], %swap3A_72 {strides = array<i32>} : memref<64x128xf32, #tpu.memory_space<vmem>>, vector<1x16xf32>,
      %swap3A_73 = arith.index_cast %scan3A_68 : i32 to index
      %swap3A_74 = arith.constant 16 : index
      %swap3A_75 = tpu.vector_load %arg7[%swap3A_73, %swap3A_74] {strides = array<i32>} : memref<64x128xf32, #tpu.memory_space<vmem>>, vector<1x16xf32>,
      %swap3A_76 = vector.shape_cast %swap3A_75 : vector<1x16xf32> to vector<16xf32>
      %swap3A_77 = vector.shape_cast %broadcast_in_dim3A_10 : vector<16xf32> to vector<1x16xf32>
      tpu.vector_store %arg7[%swap3A_73, %swap3A_74], %swap3A_77 {strides = array<i32>} : memref<64x128xf32, #tpu.memory_space<vmem>>, vector<1x16xf32>,
      %swap3A_78 = arith.index_cast %scan3A_68 : i32 to index
      %swap3A_79 = arith.constant 32 : index
      %swap3A_80 = tpu.vector_load %arg7[%swap3A_78, %swap3A_79] {strides = array<i32>} : memref<64x128xf32, #tpu.memory_space<vmem>>, vector<1x16xf32>,
      %swap3A_81 = vector.shape_cast %swap3A_80 : vector<1x16xf32> to vector<16xf32>
      %swap3A_82 = vector.shape_cast %broadcast_in_dim3A_10 : vector<16xf32> to vector<1x16xf32>
      tpu.vector_store %arg7[%swap3A_78, %swap3A_79], %swap3A_82 {strides = array<i32>} : memref<64x128xf32, #tpu.memory_space<vmem>>, vector<1x16xf32>,
      %swap3A_83 = arith.index_cast %scan3A_68 : i32 to index
      %swap3A_84 = arith.constant 48 : index
      %swap3A_85 = tpu.vector_load %arg7[%swap3A_83, %swap3A_84] {strides = array<i32>} : memref<64x128xf32, #tpu.memory_space<vmem>>, vector<1x16xf32>,
      %swap3A_86 = vector.shape_cast %swap3A_85 : vector<1x16xf32> to vector<16xf32>
      %swap3A_87 = vector.shape_cast %broadcast_in_dim3A_10 : vector<16xf32> to vector<1x16xf32>
      tpu.vector_store %arg7[%swap3A_83, %swap3A_84], %swap3A_87 {strides = array<i32>} : memref<64x128xf32, #tpu.memory_space<vmem>>, vector<1x16xf32>,
      %swap3A_88 = arith.index_cast %scan3A_68 : i32 to index
      %swap3A_89 = arith.constant 64 : index
      %swap3A_90 = tpu.vector_load %arg7[%swap3A_88, %swap3A_89] {strides = array<i32>} : memref<64x128xf32, #tpu.memory_space<vmem>>, vector<1x16xf32>,
      %swap3A_91 = vector.shape_cast %swap3A_90 : vector<1x16xf32> to vector<16xf32>
      %swap3A_92 = vector.shape_cast %broadcast_in_dim3A_10 : vector<16xf32> to vector<1x16xf32>
      tpu.vector_store %arg7[%swap3A_88, %swap3A_89], %swap3A_92 {strides = array<i32>} : memref<64x128xf32, #tpu.memory_space<vmem>>, vector<1x16xf32>,
      %swap3A_93 = arith.index_cast %scan3A_68 : i32 to index
      %swap3A_94 = arith.constant 80 : index
      %swap3A_95 = tpu.vector_load %arg7[%swap3A_93, %swap3A_94] {strides = array<i32>} : memref<64x128xf32, #tpu.memory_space<vmem>>, vector<1x16xf32>,
      %swap3A_96 = vector.shape_cast %swap3A_95 : vector<1x16xf32> to vector<16xf32>
      %swap3A_97 = vector.shape_cast %broadcast_in_dim3A_10 : vector<16xf32> to vector<1x16xf32>
      tpu.vector_store %arg7[%swap3A_93, %swap3A_94], %swap3A_97 {strides = array<i32>} : memref<64x128xf32, #tpu.memory_space<vmem>>, vector<1x16xf32>,
      %swap3A_98 = arith.index_cast %scan3A_68 : i32 to index
      %swap3A_99 = arith.constant 96 : index
      %swap3A_100 = tpu.vector_load %arg7[%swap3A_98, %swap3A_99] {strides = array<i32>} : memref<64x128xf32, #tpu.memory_space<vmem>>, vector<1x16xf32>,
      %swap3A_101 = vector.shape_cast %swap3A_100 : vector<1x16xf32> to vector<16xf32>
      %swap3A_102 = vector.shape_cast %broadcast_in_dim3A_10 : vector<16xf32> to vector<1x16xf32>
      tpu.vector_store %arg7[%swap3A_98, %swap3A_99], %swap3A_102 {strides = array<i32>} : memref<64x128xf32, #tpu.memory_space<vmem>>, vector<1x16xf32>,
      %swap3A_103 = arith.index_cast %scan3A_68 : i32 to index
      %swap3A_104 = arith.constant 112 : index
      %swap3A_105 = tpu.vector_load %arg7[%swap3A_103, %swap3A_104] {strides = array<i32>} : memref<64x128xf32, #tpu.memory_space<vmem>>, vector<1x16xf32>,
      %swap3A_106 = vector.shape_cast %swap3A_105 : vector<1x16xf32> to vector<16xf32>
      %swap3A_107 = vector.shape_cast %broadcast_in_dim3A_10 : vector<16xf32> to vector<1x16xf32>
      tpu.vector_store %arg7[%swap3A_103, %swap3A_104], %swap3A_107 {strides = array<i32>} : memref<64x128xf32, #tpu.memory_space<vmem>>, vector<1x16xf32>,
    }
    %scan3A_16 = arith.constant 64 : i32
    %mul3A_17 = arith.constant 640 : i32
    %mul3A_18 = arith.muli %arg1, %mul3A_17 : i32
    %add3A_19 = arith.constant 0 : i32
    %add3A_20 = arith.addi %mul3A_18, %add3A_19 : i32
    "tpu.region"() ({
      %run_scoped3A = tpu.sem_alloc : memref<!tpu.dma_semaphore, #tpu.memory_space<semaphore_mem>>
      %dma_start3A = arith.constant 0 : i32
      %dma_start3A_68 = tpu.memref_slice %arg8[%add3A_20, %dma_start3A] : memref<10240x128xf32, #tpu.memory_space<vmem_shared>> -> memref<64x128xf32, #tpu.memory_space<vmem_shared>>
      %dma_start3A_69 = arith.constant 0 : i32
      %dma_start3A_70 = tpu.memref_slice %arg8[%add3A_20, %dma_start3A_69] : memref<10240x128xf32, #tpu.memory_space<vmem_shared>> -> memref<64x128xf32, #tpu.memory_space<vmem_shared>>
      tpu.enqueue_dma source(%arg7 : memref<64x128xf32, #tpu.memory_space<vmem>>) target(%dma_start3A_70 : memref<64x128xf32, #tpu.memory_space<vmem_shared>>) target_semaphore(%run_scoped3A : memref<!tpu.dma_semaphore, #tpu.memory_space<semaphore_mem>>)
      %dma_wait3A = arith.constant 0 : i32
      %dma_wait3A_71 = tpu.memref_slice %arg8[%add3A_20, %dma_wait3A] : memref<10240x128xf32, #tpu.memory_space<vmem_shared>> -> memref<64x128xf32, #tpu.memory_space<vmem_shared>>
      %dma_wait3A_72 = arith.constant 0 : i32
      %dma_wait3A_73 = tpu.memref_slice %arg8[%add3A_20, %dma_wait3A_72] : memref<10240x128xf32, #tpu.memory_space<vmem_shared>> -> memref<64x128xf32, #tpu.memory_space<vmem_shared>>
      tpu.wait_dma2 semaphore(%run_scoped3A : memref<!tpu.dma_semaphore, #tpu.memory_space<semaphore_mem>>) src(%arg7 : memref<64x128xf32, #tpu.memory_space<vmem>>) dst(%dma_wait3A_73 : memref<64x128xf32, #tpu.memory_space<vmem_shared>>)
      tpu.yield
    }) : () -> ()
    %mul3A_21 = arith.constant 640 : i32
    %mul3A_22 = arith.muli %arg1, %mul3A_21 : i32
    %add3A_23 = arith.constant 64 : i32
    %add3A_24 = arith.addi %mul3A_22, %add3A_23 : i32
    "tpu.region"() ({
      %run_scoped3A = tpu.sem_alloc : memref<!tpu.dma_semaphore, #tpu.memory_space<semaphore_mem>>
      %dma_start3A = arith.constant 0 : i32
      %dma_start3A_68 = tpu.memref_slice %arg8[%add3A_24, %dma_start3A] : memref<10240x128xf32, #tpu.memory_space<vmem_shared>> -> memref<64x128xf32, #tpu.memory_space<vmem_shared>>
      %dma_start3A_69 = arith.constant 0 : i32
      %dma_start3A_70 = tpu.memref_slice %arg8[%add3A_24, %dma_start3A_69] : memref<10240x128xf32, #tpu.memory_space<vmem_shared>> -> memref<64x128xf32, #tpu.memory_space<vmem_shared>>
      tpu.enqueue_dma source(%arg7 : memref<64x128xf32, #tpu.memory_space<vmem>>) target(%dma_start3A_70 : memref<64x128xf32, #tpu.memory_space<vmem_shared>>) target_semaphore(%run_scoped3A : memref<!tpu.dma_semaphore, #tpu.memory_space<semaphore_mem>>)
      %dma_wait3A = arith.constant 0 : i32
      %dma_wait3A_71 = tpu.memref_slice %arg8[%add3A_24, %dma_wait3A] : memref<10240x128xf32, #tpu.memory_space<vmem_shared>> -> memref<64x128xf32, #tpu.memory_space<vmem_shared>>
      %dma_wait3A_72 = arith.constant 0 : i32
      %dma_wait3A_73 = tpu.memref_slice %arg8[%add3A_24, %dma_wait3A_72] : memref<10240x128xf32, #tpu.memory_space<vmem_shared>> -> memref<64x128xf32, #tpu.memory_space<vmem_shared>>
      tpu.wait_dma2 semaphore(%run_scoped3A : memref<!tpu.dma_semaphore, #tpu.memory_space<semaphore_mem>>) src(%arg7 : memref<64x128xf32, #tpu.memory_space<vmem>>) dst(%dma_wait3A_73 : memref<64x128xf32, #tpu.memory_space<vmem_shared>>)
      tpu.yield
    }) : () -> ()
    %mul3A_25 = arith.constant 640 : i32
    %mul3A_26 = arith.muli %arg1, %mul3A_25 : i32
    %add3A_27 = arith.constant 128 : i32
    %add3A_28 = arith.addi %mul3A_26, %add3A_27 : i32
    "tpu.region"() ({
      %run_scoped3A = tpu.sem_alloc : memref<!tpu.dma_semaphore, #tpu.memory_space<semaphore_mem>>
      %dma_start3A = arith.constant 0 : i32
      %dma_start3A_68 = tpu.memref_slice %arg8[%add3A_28, %dma_start3A] : memref<10240x128xf32, #tpu.memory_space<vmem_shared>> -> memref<64x128xf32, #tpu.memory_space<vmem_shared>>
      %dma_start3A_69 = arith.constant 0 : i32
      %dma_start3A_70 = tpu.memref_slice %arg8[%add3A_28, %dma_start3A_69] : memref<10240x128xf32, #tpu.memory_space<vmem_shared>> -> memref<64x128xf32, #tpu.memory_space<vmem_shared>>
      tpu.enqueue_dma source(%arg7 : memref<64x128xf32, #tpu.memory_space<vmem>>) target(%dma_start3A_70 : memref<64x128xf32, #tpu.memory_space<vmem_shared>>) target_semaphore(%run_scoped3A : memref<!tpu.dma_semaphore, #tpu.memory_space<semaphore_mem>>)
      %dma_wait3A = arith.constant 0 : i32
      %dma_wait3A_71 = tpu.memref_slice %arg8[%add3A_28, %dma_wait3A] : memref<10240x128xf32, #tpu.memory_space<vmem_shared>> -> memref<64x128xf32, #tpu.memory_space<vmem_shared>>
      %dma_wait3A_72 = arith.constant 0 : i32
      %dma_wait3A_73 = tpu.memref_slice %arg8[%add3A_28, %dma_wait3A_72] : memref<10240x128xf32, #tpu.memory_space<vmem_shared>> -> memref<64x128xf32, #tpu.memory_space<vmem_shared>>
      tpu.wait_dma2 semaphore(%run_scoped3A : memref<!tpu.dma_semaphore, #tpu.memory_space<semaphore_mem>>) src(%arg7 : memref<64x128xf32, #tpu.memory_space<vmem>>) dst(%dma_wait3A_73 : memref<64x128xf32, #tpu.memory_space<vmem_shared>>)
      tpu.yield
    }) : () -> ()
    %mul3A_29 = arith.constant 640 : i32
    %mul3A_30 = arith.muli %arg1, %mul3A_29 : i32
    %add3A_31 = arith.constant 192 : i32
    %add3A_32 = arith.addi %mul3A_30, %add3A_31 : i32
    "tpu.region"() ({
      %run_scoped3A = tpu.sem_alloc : memref<!tpu.dma_semaphore, #tpu.memory_space<semaphore_mem>>
      %dma_start3A = arith.constant 0 : i32
      %dma_start3A_68 = tpu.memref_slice %arg8[%add3A_32, %dma_start3A] : memref<10240x128xf32, #tpu.memory_space<vmem_shared>> -> memref<64x128xf32, #tpu.memory_space<vmem_shared>>
      %dma_start3A_69 = arith.constant 0 : i32
      %dma_start3A_70 = tpu.memref_slice %arg8[%add3A_32, %dma_start3A_69] : memref<10240x128xf32, #tpu.memory_space<vmem_shared>> -> memref<64x128xf32, #tpu.memory_space<vmem_shared>>
      tpu.enqueue_dma source(%arg7 : memref<64x128xf32, #tpu.memory_space<vmem>>) target(%dma_start3A_70 : memref<64x128xf32, #tpu.memory_space<vmem_shared>>) target_semaphore(%run_scoped3A : memref<!tpu.dma_semaphore, #tpu.memory_space<semaphore_mem>>)
      %dma_wait3A = arith.constant 0 : i32
      %dma_wait3A_71 = tpu.memref_slice %arg8[%add3A_32, %dma_wait3A] : memref<10240x128xf32, #tpu.memory_space<vmem_shared>> -> memref<64x128xf32, #tpu.memory_space<vmem_shared>>
      %dma_wait3A_72 = arith.constant 0 : i32
      %dma_wait3A_73 = tpu.memref_slice %arg8[%add3A_32, %dma_wait3A_72] : memref<10240x128xf32, #tpu.memory_space<vmem_shared>> -> memref<64x128xf32, #tpu.memory_space<vmem_shared>>
      tpu.wait_dma2 semaphore(%run_scoped3A : memref<!tpu.dma_semaphore, #tpu.memory_space<semaphore_mem>>) src(%arg7 : memref<64x128xf32, #tpu.memory_space<vmem>>) dst(%dma_wait3A_73 : memref<64x128xf32, #tpu.memory_space<vmem_shared>>)
      tpu.yield
    }) : () -> ()
    %mul3A_33 = arith.constant 640 : i32
    %mul3A_34 = arith.muli %arg1, %mul3A_33 : i32
    %add3A_35 = arith.constant 256 : i32
    %add3A_36 = arith.addi %mul3A_34, %add3A_35 : i32
    "tpu.region"() ({
      %run_scoped3A = tpu.sem_alloc : memref<!tpu.dma_semaphore, #tpu.memory_space<semaphore_mem>>
      %dma_start3A = arith.constant 0 : i32
      %dma_start3A_68 = tpu.memref_slice %arg8[%add3A_36, %dma_start3A] : memref<10240x128xf32, #tpu.memory_space<vmem_shared>> -> memref<64x128xf32, #tpu.memory_space<vmem_shared>>
      %dma_start3A_69 = arith.constant 0 : i32
      %dma_start3A_70 = tpu.memref_slice %arg8[%add3A_36, %dma_start3A_69] : memref<10240x128xf32, #tpu.memory_space<vmem_shared>> -> memref<64x128xf32, #tpu.memory_space<vmem_shared>>
      tpu.enqueue_dma source(%arg7 : memref<64x128xf32, #tpu.memory_space<vmem>>) target(%dma_start3A_70 : memref<64x128xf32, #tpu.memory_space<vmem_shared>>) target_semaphore(%run_scoped3A : memref<!tpu.dma_semaphore, #tpu.memory_space<semaphore_mem>>)
      %dma_wait3A = arith.constant 0 : i32
      %dma_wait3A_71 = tpu.memref_slice %arg8[%add3A_36, %dma_wait3A] : memref<10240x128xf32, #tpu.memory_space<vmem_shared>> -> memref<64x128xf32, #tpu.memory_space<vmem_shared>>
      %dma_wait3A_72 = arith.constant 0 : i32
      %dma_wait3A_73 = tpu.memref_slice %arg8[%add3A_36, %dma_wait3A_72] : memref<10240x128xf32, #tpu.memory_space<vmem_shared>> -> memref<64x128xf32, #tpu.memory_space<vmem_shared>>
      tpu.wait_dma2 semaphore(%run_scoped3A : memref<!tpu.dma_semaphore, #tpu.memory_space<semaphore_mem>>) src(%arg7 : memref<64x128xf32, #tpu.memory_space<vmem>>) dst(%dma_wait3A_73 : memref<64x128xf32, #tpu.memory_space<vmem_shared>>)
      tpu.yield
    }) : () -> ()
    %mul3A_37 = arith.constant 640 : i32
    %mul3A_38 = arith.muli %arg1, %mul3A_37 : i32
    %add3A_39 = arith.constant 320 : i32
    %add3A_40 = arith.addi %mul3A_38, %add3A_39 : i32
    "tpu.region"() ({
      %run_scoped3A = tpu.sem_alloc : memref<!tpu.dma_semaphore, #tpu.memory_space<semaphore_mem>>
      %dma_start3A = arith.constant 0 : i32
      %dma_start3A_68 = tpu.memref_slice %arg8[%add3A_40, %dma_start3A] : memref<10240x128xf32, #tpu.memory_space<vmem_shared>> -> memref<64x128xf32, #tpu.memory_space<vmem_shared>>
      %dma_start3A_69 = arith.constant 0 : i32
      %dma_start3A_70 = tpu.memref_slice %arg8[%add3A_40, %dma_start3A_69] : memref<10240x128xf32, #tpu.memory_space<vmem_shared>> -> memref<64x128xf32, #tpu.memory_space<vmem_shared>>
      tpu.enqueue_dma source(%arg7 : memref<64x128xf32, #tpu.memory_space<vmem>>) target(%dma_start3A_70 : memref<64x128xf32, #tpu.memory_space<vmem_shared>>) target_semaphore(%run_scoped3A : memref<!tpu.dma_semaphore, #tpu.memory_space<semaphore_mem>>)
      %dma_wait3A = arith.constant 0 : i32
      %dma_wait3A_71 = tpu.memref_slice %arg8[%add3A_40, %dma_wait3A] : memref<10240x128xf32, #tpu.memory_space<vmem_shared>> -> memref<64x128xf32, #tpu.memory_space<vmem_shared>>
      %dma_wait3A_72 = arith.constant 0 : i32
      %dma_wait3A_73 = tpu.memref_slice %arg8[%add3A_40, %dma_wait3A_72] : memref<10240x128xf32, #tpu.memory_space<vmem_shared>> -> memref<64x128xf32, #tpu.memory_space<vmem_shared>>
      tpu.wait_dma2 semaphore(%run_scoped3A : memref<!tpu.dma_semaphore, #tpu.memory_space<semaphore_mem>>) src(%arg7 : memref<64x128xf32, #tpu.memory_space<vmem>>) dst(%dma_wait3A_73 : memref<64x128xf32, #tpu.memory_space<vmem_shared>>)
      tpu.yield
    }) : () -> ()
    %mul3A_41 = arith.constant 640 : i32
    %mul3A_42 = arith.muli %arg1, %mul3A_41 : i32
    %add3A_43 = arith.constant 384 : i32
    %add3A_44 = arith.addi %mul3A_42, %add3A_43 : i32
    "tpu.region"() ({
      %run_scoped3A = tpu.sem_alloc : memref<!tpu.dma_semaphore, #tpu.memory_space<semaphore_mem>>
      %dma_start3A = arith.constant 0 : i32
      %dma_start3A_68 = tpu.memref_slice %arg8[%add3A_44, %dma_start3A] : memref<10240x128xf32, #tpu.memory_space<vmem_shared>> -> memref<64x128xf32, #tpu.memory_space<vmem_shared>>
      %dma_start3A_69 = arith.constant 0 : i32
      %dma_start3A_70 = tpu.memref_slice %arg8[%add3A_44, %dma_start3A_69] : memref<10240x128xf32, #tpu.memory_space<vmem_shared>> -> memref<64x128xf32, #tpu.memory_space<vmem_shared>>
      tpu.enqueue_dma source(%arg7 : memref<64x128xf32, #tpu.memory_space<vmem>>) target(%dma_start3A_70 : memref<64x128xf32, #tpu.memory_space<vmem_shared>>) target_semaphore(%run_scoped3A : memref<!tpu.dma_semaphore, #tpu.memory_space<semaphore_mem>>)
      %dma_wait3A = arith.constant 0 : i32
      %dma_wait3A_71 = tpu.memref_slice %arg8[%add3A_44, %dma_wait3A] : memref<10240x128xf32, #tpu.memory_space<vmem_shared>> -> memref<64x128xf32, #tpu.memory_space<vmem_shared>>
      %dma_wait3A_72 = arith.constant 0 : i32
      %dma_wait3A_73 = tpu.memref_slice %arg8[%add3A_44, %dma_wait3A_72] : memref<10240x128xf32, #tpu.memory_space<vmem_shared>> -> memref<64x128xf32, #tpu.memory_space<vmem_shared>>
      tpu.wait_dma2 semaphore(%run_scoped3A : memref<!tpu.dma_semaphore, #tpu.memory_space<semaphore_mem>>) src(%arg7 : memref<64x128xf32, #tpu.memory_space<vmem>>) dst(%dma_wait3A_73 : memref<64x128xf32, #tpu.memory_space<vmem_shared>>)
      tpu.yield
    }) : () -> ()
    %mul3A_45 = arith.constant 640 : i32
    %mul3A_46 = arith.muli %arg1, %mul3A_45 : i32
    %add3A_47 = arith.constant 448 : i32
    %add3A_48 = arith.addi %mul3A_46, %add3A_47 : i32
    "tpu.region"() ({
      %run_scoped3A = tpu.sem_alloc : memref<!tpu.dma_semaphore, #tpu.memory_space<semaphore_mem>>
      %dma_start3A = arith.constant 0 : i32
      %dma_start3A_68 = tpu.memref_slice %arg8[%add3A_48, %dma_start3A] : memref<10240x128xf32, #tpu.memory_space<vmem_shared>> -> memref<64x128xf32, #tpu.memory_space<vmem_shared>>
      %dma_start3A_69 = arith.constant 0 : i32
      %dma_start3A_70 = tpu.memref_slice %arg8[%add3A_48, %dma_start3A_69] : memref<10240x128xf32, #tpu.memory_space<vmem_shared>> -> memref<64x128xf32, #tpu.memory_space<vmem_shared>>
      tpu.enqueue_dma source(%arg7 : memref<64x128xf32, #tpu.memory_space<vmem>>) target(%dma_start3A_70 : memref<64x128xf32, #tpu.memory_space<vmem_shared>>) target_semaphore(%run_scoped3A : memref<!tpu.dma_semaphore, #tpu.memory_space<semaphore_mem>>)
      %dma_wait3A = arith.constant 0 : i32
      %dma_wait3A_71 = tpu.memref_slice %arg8[%add3A_48, %dma_wait3A] : memref<10240x128xf32, #tpu.memory_space<vmem_shared>> -> memref<64x128xf32, #tpu.memory_space<vmem_shared>>
      %dma_wait3A_72 = arith.constant 0 : i32
      %dma_wait3A_73 = tpu.memref_slice %arg8[%add3A_48, %dma_wait3A_72] : memref<10240x128xf32, #tpu.memory_space<vmem_shared>> -> memref<64x128xf32, #tpu.memory_space<vmem_shared>>
      tpu.wait_dma2 semaphore(%run_scoped3A : memref<!tpu.dma_semaphore, #tpu.memory_space<semaphore_mem>>) src(%arg7 : memref<64x128xf32, #tpu.memory_space<vmem>>) dst(%dma_wait3A_73 : memref<64x128xf32, #tpu.memory_space<vmem_shared>>)
      tpu.yield
    }) : () -> ()
    %mul3A_49 = arith.constant 640 : i32
    %mul3A_50 = arith.muli %arg1, %mul3A_49 : i32
    %add3A_51 = arith.constant 512 : i32
    %add3A_52 = arith.addi %mul3A_50, %add3A_51 : i32
    "tpu.region"() ({
      %run_scoped3A = tpu.sem_alloc : memref<!tpu.dma_semaphore, #tpu.memory_space<semaphore_mem>>
      %dma_start3A = arith.constant 0 : i32
      %dma_start3A_68 = tpu.memref_slice %arg8[%add3A_52, %dma_start3A] : memref<10240x128xf32, #tpu.memory_space<vmem_shared>> -> memref<64x128xf32, #tpu.memory_space<vmem_shared>>
      %dma_start3A_69 = arith.constant 0 : i32
      %dma_start3A_70 = tpu.memref_slice %arg8[%add3A_52, %dma_start3A_69] : memref<10240x128xf32, #tpu.memory_space<vmem_shared>> -> memref<64x128xf32, #tpu.memory_space<vmem_shared>>
      tpu.enqueue_dma source(%arg7 : memref<64x128xf32, #tpu.memory_space<vmem>>) target(%dma_start3A_70 : memref<64x128xf32, #tpu.memory_space<vmem_shared>>) target_semaphore(%run_scoped3A : memref<!tpu.dma_semaphore, #tpu.memory_space<semaphore_mem>>)
      %dma_wait3A = arith.constant 0 : i32
      %dma_wait3A_71 = tpu.memref_slice %arg8[%add3A_52, %dma_wait3A] : memref<10240x128xf32, #tpu.memory_space<vmem_shared>> -> memref<64x128xf32, #tpu.memory_space<vmem_shared>>
      %dma_wait3A_72 = arith.constant 0 : i32
      %dma_wait3A_73 = tpu.memref_slice %arg8[%add3A_52, %dma_wait3A_72] : memref<10240x128xf32, #tpu.memory_space<vmem_shared>> -> memref<64x128xf32, #tpu.memory_space<vmem_shared>>
      tpu.wait_dma2 semaphore(%run_scoped3A : memref<!tpu.dma_semaphore, #tpu.memory_space<semaphore_mem>>) src(%arg7 : memref<64x128xf32, #tpu.memory_space<vmem>>) dst(%dma_wait3A_73 : memref<64x128xf32, #tpu.memory_space<vmem_shared>>)
      tpu.yield
    }) : () -> ()
    %mul3A_53 = arith.constant 640 : i32
    %mul3A_54 = arith.muli %arg1, %mul3A_53 : i32
    %add3A_55 = arith.constant 576 : i32
    %add3A_56 = arith.addi %mul3A_54, %add3A_55 : i32
    "tpu.region"() ({
      %run_scoped3A = tpu.sem_alloc : memref<!tpu.dma_semaphore, #tpu.memory_space<semaphore_mem>>
      %dma_start3A = arith.constant 0 : i32
      %dma_start3A_68 = tpu.memref_slice %arg8[%add3A_56, %dma_start3A] : memref<10240x128xf32, #tpu.memory_space<vmem_shared>> -> memref<64x128xf32, #tpu.memory_space<vmem_shared>>
      %dma_start3A_69 = arith.constant 0 : i32
      %dma_start3A_70 = tpu.memref_slice %arg8[%add3A_56, %dma_start3A_69] : memref<10240x128xf32, #tpu.memory_space<vmem_shared>> -> memref<64x128xf32, #tpu.memory_space<vmem_shared>>
      tpu.enqueue_dma source(%arg7 : memref<64x128xf32, #tpu.memory_space<vmem>>) target(%dma_start3A_70 : memref<64x128xf32, #tpu.memory_space<vmem_shared>>) target_semaphore(%run_scoped3A : memref<!tpu.dma_semaphore, #tpu.memory_space<semaphore_mem>>)
      %dma_wait3A = arith.constant 0 : i32
      %dma_wait3A_71 = tpu.memref_slice %arg8[%add3A_56, %dma_wait3A] : memref<10240x128xf32, #tpu.memory_space<vmem_shared>> -> memref<64x128xf32, #tpu.memory_space<vmem_shared>>
      %dma_wait3A_72 = arith.constant 0 : i32
      %dma_wait3A_73 = tpu.memref_slice %arg8[%add3A_56, %dma_wait3A_72] : memref<10240x128xf32, #tpu.memory_space<vmem_shared>> -> memref<64x128xf32, #tpu.memory_space<vmem_shared>>
      tpu.wait_dma2 semaphore(%run_scoped3A : memref<!tpu.dma_semaphore, #tpu.memory_space<semaphore_mem>>) src(%arg7 : memref<64x128xf32, #tpu.memory_space<vmem>>) dst(%dma_wait3A_73 : memref<64x128xf32, #tpu.memory_space<vmem_shared>>)
      tpu.yield
    }) : () -> ()
    %barrier3A = arith.constant 0 : index
    tpu.barrier barrier_id(%barrier3A)
    %scan3A_57 = arith.constant 0 : i32
    %scan3A_58 = arith.constant 0 : i32
    %scan3A_59 = arith.constant 80 : i32
    %scan3A_60 = arith.addi %scan3A_58, %scan3A_59 : i32
    %scan3A_61 = arith.constant 1 : i32
    scf.for %scan3A_68 = %scan3A_58 to %scan3A_60 step %scan3A_61  : i32 {
      %get3A = arith.index_cast %scan3A_68 : i32 to index
      %get3A_69 = arith.constant 0 : index
      %get3A_70 = tpu.vector_load %arg4[%get3A, %get3A_69] {strides = array<i32>} : memref<80x128xi32, #tpu.memory_space<vmem>>, vector<1x16xi32>,
      %get3A_71 = vector.shape_cast %get3A_70 : vector<1x16xi32> to vector<16xi32>
      %swap3A = arith.constant 0 : index
      %swap3A_72 = tpu.vector_load %arg5[%swap3A] {strides = array<i32>} : memref<128xi32, #tpu.memory_space<vmem>>, vector<16xi32>,
      %swap3A_73 = vector.shape_cast %swap3A_72 : vector<16xi32> to vector<16xi32>
      %swap3A_74 = vector.shape_cast %get3A_71 : vector<16xi32> to vector<16xi32>
      tpu.vector_store %arg5[%swap3A], %swap3A_74 {strides = array<i32>} : memref<128xi32, #tpu.memory_space<vmem>>, vector<16xi32>,
      %get3A_75 = arith.index_cast %scan3A_68 : i32 to index
      %get3A_76 = arith.constant 16 : index
      %get3A_77 = tpu.vector_load %arg4[%get3A_75, %get3A_76] {strides = array<i32>} : memref<80x128xi32, #tpu.memory_space<vmem>>, vector<1x16xi32>,
      %get3A_78 = vector.shape_cast %get3A_77 : vector<1x16xi32> to vector<16xi32>
      %swap3A_79 = arith.constant 16 : index
      %swap3A_80 = tpu.vector_load %arg5[%swap3A_79] {strides = array<i32>} : memref<128xi32, #tpu.memory_space<vmem>>, vector<16xi32>,
      %swap3A_81 = vector.shape_cast %swap3A_80 : vector<16xi32> to vector<16xi32>
      %swap3A_82 = vector.shape_cast %get3A_78 : vector<16xi32> to vector<16xi32>
      tpu.vector_store %arg5[%swap3A_79], %swap3A_82 {strides = array<i32>} : memref<128xi32, #tpu.memory_space<vmem>>, vector<16xi32>,
      %get3A_83 = arith.index_cast %scan3A_68 : i32 to index
      %get3A_84 = arith.constant 32 : index
      %get3A_85 = tpu.vector_load %arg4[%get3A_83, %get3A_84] {strides = array<i32>} : memref<80x128xi32, #tpu.memory_space<vmem>>, vector<1x16xi32>,
      %get3A_86 = vector.shape_cast %get3A_85 : vector<1x16xi32> to vector<16xi32>
      %swap3A_87 = arith.constant 32 : index
      %swap3A_88 = tpu.vector_load %arg5[%swap3A_87] {strides = array<i32>} : memref<128xi32, #tpu.memory_space<vmem>>, vector<16xi32>,
      %swap3A_89 = vector.shape_cast %swap3A_88 : vector<16xi32> to vector<16xi32>
      %swap3A_90 = vector.shape_cast %get3A_86 : vector<16xi32> to vector<16xi32>
      tpu.vector_store %arg5[%swap3A_87], %swap3A_90 {strides = array<i32>} : memref<128xi32, #tpu.memory_space<vmem>>, vector<16xi32>,
      %get3A_91 = arith.index_cast %scan3A_68 : i32 to index
      %get3A_92 = arith.constant 48 : index
      %get3A_93 = tpu.vector_load %arg4[%get3A_91, %get3A_92] {strides = array<i32>} : memref<80x128xi32, #tpu.memory_space<vmem>>, vector<1x16xi32>,
      %get3A_94 = vector.shape_cast %get3A_93 : vector<1x16xi32> to vector<16xi32>
      %swap3A_95 = arith.constant 48 : index
      %swap3A_96 = tpu.vector_load %arg5[%swap3A_95] {strides = array<i32>} : memref<128xi32, #tpu.memory_space<vmem>>, vector<16xi32>,
      %swap3A_97 = vector.shape_cast %swap3A_96 : vector<16xi32> to vector<16xi32>
      %swap3A_98 = vector.shape_cast %get3A_94 : vector<16xi32> to vector<16xi32>
      tpu.vector_store %arg5[%swap3A_95], %swap3A_98 {strides = array<i32>} : memref<128xi32, #tpu.memory_space<vmem>>, vector<16xi32>,
      %get3A_99 = arith.index_cast %scan3A_68 : i32 to index
      %get3A_100 = arith.constant 64 : index
      %get3A_101 = tpu.vector_load %arg4[%get3A_99, %get3A_100] {strides = array<i32>} : memref<80x128xi32, #tpu.memory_space<vmem>>, vector<1x16xi32>,
      %get3A_102 = vector.shape_cast %get3A_101 : vector<1x16xi32> to vector<16xi32>
      %swap3A_103 = arith.constant 64 : index
      %swap3A_104 = tpu.vector_load %arg5[%swap3A_103] {strides = array<i32>} : memref<128xi32, #tpu.memory_space<vmem>>, vector<16xi32>,
      %swap3A_105 = vector.shape_cast %swap3A_104 : vector<16xi32> to vector<16xi32>
      %swap3A_106 = vector.shape_cast %get3A_102 : vector<16xi32> to vector<16xi32>
      tpu.vector_store %arg5[%swap3A_103], %swap3A_106 {strides = array<i32>} : memref<128xi32, #tpu.memory_space<vmem>>, vector<16xi32>,
      %get3A_107 = arith.index_cast %scan3A_68 : i32 to index
      %get3A_108 = arith.constant 80 : index
      %get3A_109 = tpu.vector_load %arg4[%get3A_107, %get3A_108] {strides = array<i32>} : memref<80x128xi32, #tpu.memory_space<vmem>>, vector<1x16xi32>,
      %get3A_110 = vector.shape_cast %get3A_109 : vector<1x16xi32> to vector<16xi32>
      %swap3A_111 = arith.constant 80 : index
      %swap3A_112 = tpu.vector_load %arg5[%swap3A_111] {strides = array<i32>} : memref<128xi32, #tpu.memory_space<vmem>>, vector<16xi32>,
      %swap3A_113 = vector.shape_cast %swap3A_112 : vector<16xi32> to vector<16xi32>
      %swap3A_114 = vector.shape_cast %get3A_110 : vector<16xi32> to vector<16xi32>
      tpu.vector_store %arg5[%swap3A_111], %swap3A_114 {strides = array<i32>} : memref<128xi32, #tpu.memory_space<vmem>>, vector<16xi32>,
      %get3A_115 = arith.index_cast %scan3A_68 : i32 to index
      %get3A_116 = arith.constant 96 : index
      %get3A_117 = tpu.vector_load %arg4[%get3A_115, %get3A_116] {strides = array<i32>} : memref<80x128xi32, #tpu.memory_space<vmem>>, vector<1x16xi32>,
      %get3A_118 = vector.shape_cast %get3A_117 : vector<1x16xi32> to vector<16xi32>
      %swap3A_119 = arith.constant 96 : index
      %swap3A_120 = tpu.vector_load %arg5[%swap3A_119] {strides = array<i32>} : memref<128xi32, #tpu.memory_space<vmem>>, vector<16xi32>,
      %swap3A_121 = vector.shape_cast %swap3A_120 : vector<16xi32> to vector<16xi32>
      %swap3A_122 = vector.shape_cast %get3A_118 : vector<16xi32> to vector<16xi32>
      tpu.vector_store %arg5[%swap3A_119], %swap3A_122 {strides = array<i32>} : memref<128xi32, #tpu.memory_space<vmem>>, vector<16xi32>,
      %get3A_123 = arith.index_cast %scan3A_68 : i32 to index
      %get3A_124 = arith.constant 112 : index
      %get3A_125 = tpu.vector_load %arg4[%get3A_123, %get3A_124] {strides = array<i32>} : memref<80x128xi32, #tpu.memory_space<vmem>>, vector<1x16xi32>,
      %get3A_126 = vector.shape_cast %get3A_125 : vector<1x16xi32> to vector<16xi32>
      %swap3A_127 = arith.constant 112 : index
      %swap3A_128 = tpu.vector_load %arg5[%swap3A_127] {strides = array<i32>} : memref<128xi32, #tpu.memory_space<vmem>>, vector<16xi32>,
      %swap3A_129 = vector.shape_cast %swap3A_128 : vector<16xi32> to vector<16xi32>
      %swap3A_130 = vector.shape_cast %get3A_126 : vector<16xi32> to vector<16xi32>
      tpu.vector_store %arg5[%swap3A_127], %swap3A_130 {strides = array<i32>} : memref<128xi32, #tpu.memory_space<vmem>>, vector<16xi32>,
      "tpu.region"() ({
        %run_scoped3A = tpu.sem_alloc : memref<!tpu.dma_semaphore, #tpu.memory_space<semaphore_mem>>
        %dma_start3A = arith.constant 0 : i32
        %dma_start3A_131 = arith.constant 0 : i32
        %dma_start3A_132 = tpu.memref_slice %arg8[%dma_start3A, %dma_start3A_131] : memref<10240x128xf32, #tpu.memory_space<vmem_shared>> -> memref<10240x128xf32, #tpu.memory_space<vmem_shared>>
        tpu.enqueue_indirect_dma source(%arg6 : memref<128x128xf32, #tpu.memory_space<vmem>>) target(%dma_start3A_132 : memref<10240x128xf32, #tpu.memory_space<vmem_shared>>) offsets(%arg5 : memref<128xi32, #tpu.memory_space<vmem>>) semaphore(%run_scoped3A : memref<!tpu.dma_semaphore, #tpu.memory_space<semaphore_mem>>) {add = true}
        %dma_wait3A = arith.constant 0 : i32
        %dma_wait3A_133 = arith.constant 0 : i32
        %dma_wait3A_134 = tpu.memref_slice %arg8[%dma_wait3A, %dma_wait3A_133] : memref<10240x128xf32, #tpu.memory_space<vmem_shared>> -> memref<10240x128xf32, #tpu.memory_space<vmem_shared>>
        tpu.wait_indirect_dma semaphore(%run_scoped3A : memref<!tpu.dma_semaphore, #tpu.memory_space<semaphore_mem>>) src(%arg6 : memref<128x128xf32, #tpu.memory_space<vmem>>) dst(%dma_wait3A_134 : memref<10240x128xf32, #tpu.memory_space<vmem_shared>>)
        tpu.yield
      }) : () -> ()
    }
    %scan3A_62 = arith.constant 80 : i32
    %barrier3A_63 = arith.constant 0 : index
    tpu.barrier barrier_id(%barrier3A_63)
    %mul3A_64 = arith.constant 640 : i32
    %mul3A_65 = arith.muli %arg1, %mul3A_64 : i32
    %mul3A_66 = arith.constant 640 : i32
    %mul3A_67 = arith.muli %arg1, %mul3A_66 : i32
    "tpu.region"() ({
      %run_scoped3A = tpu.sem_alloc : memref<!tpu.dma_semaphore, #tpu.memory_space<semaphore_mem>>
      %dma_start3A = arith.constant 0 : i32
      %dma_start3A_68 = tpu.memref_slice %arg3[%arg0, %mul3A_67, %dma_start3A] : memref<2x10240x128xf32, #tpu.memory_space<hbm>> -> memref<1x640x128xf32, #tpu.memory_space<hbm>>
      %dma_start3A_69 = tpu.memref_squeeze %dma_start3A_68 : memref<1x640x128xf32, #tpu.memory_space<hbm>> -> memref<640x128xf32, #tpu.memory_space<hbm>>
      %dma_start3A_70 = arith.constant 0 : i32
      %dma_start3A_71 = tpu.memref_slice %arg8[%mul3A_65, %dma_start3A_70] : memref<10240x128xf32, #tpu.memory_space<vmem_shared>> -> memref<640x128xf32, #tpu.memory_space<vmem_shared>>
      tpu.enqueue_dma source(%dma_start3A_71 : memref<640x128xf32, #tpu.memory_space<vmem_shared>>) target(%dma_start3A_69 : memref<640x128xf32, #tpu.memory_space<hbm>>) target_semaphore(%run_scoped3A : memref<!tpu.dma_semaphore, #tpu.memory_space<semaphore_mem>>)
      %dma_wait3A = arith.constant 0 : i32
      %dma_wait3A_72 = tpu.memref_slice %arg3[%arg0, %mul3A_67, %dma_wait3A] : memref<2x10240x128xf32, #tpu.memory_space<hbm>> -> memref<1x640x128xf32, #tpu.memory_space<hbm>>
      %dma_wait3A_73 = tpu.memref_squeeze %dma_wait3A_72 : memref<1x640x128xf32, #tpu.memory_space<hbm>> -> memref<640x128xf32, #tpu.memory_space<hbm>>
      %dma_wait3A_74 = arith.constant 0 : i32
      %dma_wait3A_75 = tpu.memref_slice %arg8[%mul3A_65, %dma_wait3A_74] : memref<10240x128xf32, #tpu.memory_space<vmem_shared>> -> memref<640x128xf32, #tpu.memory_space<vmem_shared>>
      tpu.wait_dma2 semaphore(%run_scoped3A : memref<!tpu.dma_semaphore, #tpu.memory_space<semaphore_mem>>) src(%dma_wait3A_75 : memref<640x128xf32, #tpu.memory_space<vmem_shared>>) dst(%dma_wait3A_73 : memref<640x128xf32, #tpu.memory_space<hbm>>)
      tpu.yield
    }) : () -> ()
    return
  }
}

</mosaic_0001>

<sc_bundles>
// kernel: _sc_deg.3.cloned.1.call-start
scs
__scs_entry_jumppad:
0x0: {  	(pc) =	sbr.rel $0x88, $3  }
0x1: {  	(tag) =	ssettag $0x0;
	lr =	simm.s32 $0x1  }
0x2: {  	[smem:$0x3FA0] =	sst lr;
	_ =	strace $0xD0000000  }
0x3: {  	_ = 	snop  }
0x4: {  	_ = 	snop  }
0x5: {  	_ = 	snop  }
0x6: {  	_ = 	snop  }
0x7: {  	_ = 	snop  }
__scs_overlays_trampoline_lowered:
0x8: {  	[smem:$0x3FAF] =	sst s0  }
0x9: {  	[smem:$0x3FB0] =	sst s1  }
0xa: {  	[smem:$0x3FB1] =	sst s2  }
0xb: {  	[smem:$0x3FB2] =	sst s3  }
0xc: {  	[smem:$0x3FB3] =	sst s4  }
0xd: {  	[smem:$0x3FB4] =	sst s5  }
0xe: {  	[smem:$0x3FB5] =	sst s6  }
0xf: {  	[smem:$0x3FB6] =	sst s7  }
0x10: {  	[smem:$0x3FB7] =	sst s8  }
0x11: {  	[smem:$0x3FB8] =	sst s9;
	s0 =	simm.s32 @!p0 $0x0  }
0x12: {  	s1 =	sld [smem:$0x3F9E];
	s0 =	simm.s32 @p0 $0x1  }
0x13: {  	[smem:$0x3FB9] =	sst s0;
	s0 =	simm.s32 @!p1 $0x0  }
0x14: {  	s2 =	sld [smem:$0x3F9D];
	s0 =	simm.s32 @p1 $0x1  }
0x15: {  	[smem:$0x3FBA] =	sst s0;
	s0 =	simm.s32 @!p2 $0x0  }
0x16: {  	s3 =	sld [smem:$0x3FDB];
	s0 =	simm.s32 @p2 $0x1  }
0x17: {  	s4 =	simm.s32 $0x1BF5;
	[smem:$0x3FBC] =	sst s0  }
0x18: {  	s0 =	sld [smem:$0x3F9F];
	_ =	swait.ge [sflag:s4], $0x0  }
0x19: {  	s7 =	sld [smem:$0x3FA0]  }
0x1a: {  	s8 =	sadd.s32 $0xFFFFE003, lr  }
0x1b: {  	s9 =	sadd.s32 $0xFFFFFEF7, lr;
	s5 =	simm.s32 $0xFFFFFFFF;
	p2 =	slt.u32 s8, $0xFFFFF086  }
0x1c: {  	p1 =	slt.u32 s9, $0xF7A;
	s5 =	simm.s32 @!p2 $0x0  }
0x1d: {  	s5 =	simm.s32 @p1 $0x1;
	p0 =	seq.s32 s7, s2  }
0x1e: {  	s7 =	smul.u32 @!p0 $0xF7A, s2;
	p2 =	seq.s32 @!p0 s5, $0x0  }
0x1f: {  	s9 =	smul.u32 $0xF7A, s1;
	s8 =	simm.s32 @!p0 $0x1BF5;
	p2 =	por !p2, p0  }
0x20: {  	[sflag:s8] =	ssyncset.s32 @!p0 $0xFFFFF086;
	s6 =	sadd.s32 @!p0 s3, s7;
	s7 =	simm.s32 @!p0 $0x108  }
0x21: {  	s3 =	sadd.s32 s3, s9;
	s6 =	sadd.s32 @!p0 $0x88, s6;
	s7 =	simm.s32 @p2 $0x1082  }
0x22: {  	[simem:s7], [sflag:s8] =	dma.local @!p0 [hbm:s6], $0xF7A  }
0x23: {  	s9 =	sor.u32 $0xD0000000, s2;
	s6 =	simm.s32 $0x108;
	_ =	swait.ge @!p0 [sflag:s8], $0x0  }
0x24: {  	s3 =	sadd.s32 $0x88, s3;
	s6 =	simm.s32 @!p1 $0x1082;
	[sflag:s4] =	ssyncset.s32 $0xFFFFF086  }
0x25: {  	[simem:s6], [sflag:s4] =	dma.local [hbm:s3], $0xF7A  }
0x26: {  	[smem:$0x3FA0] =	sst s1;
	(tag) =	ssettag s2;
	_ =	strace s9  }
0x27: {  	s1 =	sld [smem:$0x3FB0]  }
0x28: {  	s2 =	sld [smem:$0x3FB1]  }
0x29: {  	s4 =	sld [smem:$0x3FB3]  }
0x2a: {  	p0 =	seq.s32 s5, $0x0;
	s5 =	sld [smem:$0x3FB4]  }
0x2b: {  	s6 =	sld [smem:$0x3FB5]  }
0x2c: {  	s7 =	sld [smem:$0x3FB6]  }
0x2d: {  	s3 =	simm.s32 $0x108;
	s8 =	sld [smem:$0x3FB7]  }
0x2e: {  	s3 =	simm.s32 @!p0 $0x1082;
	s9 =	sld [smem:$0x3FB8]  }
0x2f: {  	lr =	sadd.s32 s0, s3;
	s0 =	sld [smem:$0x3FAF]  }
0x30: {  	s3 =	sld [smem:$0x3FB2]  }
0x31: {  	[smem:$0x3FBB] =	sst s10  }
0x32: {  	s10 =	sld [smem:$0x3FB9];
	_ =	sdelay $0x3  }
0x33: {  	p0 =	seq.s32 s10, $0x1;
	s10 =	sld [smem:$0x3FBB];
	_ =	sdelay $0x3  }
0x34: {  	[smem:$0x3FBB] =	sst s10  }
0x35: {  	s10 =	sld [smem:$0x3FBA];
	_ =	sdelay $0x3  }
0x36: {  	p1 =	seq.s32 s10, $0x1;
	s10 =	sld [smem:$0x3FBB];
	_ =	sdelay $0x3  }
0x37: {  	[smem:$0x3FBB] =	sst s10  }
0x38: {  	s10 =	sld [smem:$0x3FBC]  }
0x39: {  	_ = 	snop;
	(pc) =	sbr.ind lr, $3  }
0x3a: {  	_ = 	snop  }
0x3b: {  	_ = 	snop  }
0x3c: {  	p2 =	seq.s32 s10, $0x1;
	s10 =	sld [smem:$0x3FBB]  }
0x3d: {  	_ =	shalt  }
0x3e: {  	_ =	shalt  }
0x3f: {  	_ =	shalt  }
0x40: {  	_ =	shalt  }
0x41: {  	_ =	shalt  }
0x42: {  	_ =	shalt  }
0x43: {  	_ =	shalt  }
0x44: {  	_ =	shalt  }
0x45: {  	_ =	shalt  }
0x46: {  	_ =	shalt  }
0x47: {  	_ =	shalt  }
0x48: {  	_ =	shalt  }
0x49: {  	_ =	shalt  }
0x4a: {  	_ =	shalt  }
0x4b: {  	_ =	shalt  }
0x4c: {  	_ =	shalt  }
0x4d: {  	_ =	shalt  }
0x4e: {  	_ =	shalt  }
0x4f: {  	_ =	shalt  }
0x50: {  	_ =	shalt  }
0x51: {  	_ =	shalt  }
0x52: {  	_ =	shalt  }
0x53: {  	_ =	shalt  }
0x54: {  	_ =	shalt  }
0x55: {  	_ =	shalt  }
0x56: {  	_ =	shalt  }
0x57: {  	_ =	shalt  }
0x58: {  	_ =	shalt  }
0x59: {  	_ =	shalt  }
0x5a: {  	_ =	shalt  }
0x5b: {  	_ =	shalt  }
0x5c: {  	_ =	shalt  }
0x5d: {  	_ =	shalt  }
0x5e: {  	_ =	shalt  }
0x5f: {  	_ =	shalt  }
0x60: {  	_ =	shalt  }
0x61: {  	_ =	shalt  }
0x62: {  	_ =	shalt  }
0x63: {  	_ =	shalt  }
0x64: {  	_ =	shalt  }
0x65: {  	_ =	shalt  }
0x66: {  	_ =	shalt  }
0x67: {  	_ =	shalt  }
0x68: {  	_ =	shalt  }
0x69: {  	_ =	shalt  }
0x6a: {  	_ =	shalt  }
0x6b: {  	_ =	shalt  }
0x6c: {  	_ =	shalt  }
0x6d: {  	_ =	shalt  }
0x6e: {  	_ =	shalt  }
0x6f: {  	_ =	shalt  }
0x70: {  	_ =	shalt  }
0x71: {  	_ =	shalt  }
0x72: {  	_ =	shalt  }
0x73: {  	_ =	shalt  }
0x74: {  	_ =	shalt  }
0x75: {  	_ =	shalt  }
0x76: {  	_ =	shalt  }
0x77: {  	_ =	shalt  }
0x78: {  	_ =	shalt  }
0x79: {  	_ =	shalt  }
0x7a: {  	_ =	shalt  }
0x7b: {  	_ =	shalt  }
0x7c: {  	_ =	shalt  }
0x7d: {  	_ =	shalt  }
0x7e: {  	_ =	shalt  }
0x7f: {  	_ =	shalt  }
0x80: {  	_ =	shalt  }
0x81: {  	_ =	shalt  }
0x82: {  	_ =	shalt  }
0x83: {  	_ =	shalt  }
0x84: {  	_ =	shalt  }
0x85: {  	_ =	shalt  }
0x86: {  	_ =	shalt  }
0x87: {  	_ =	shalt  }
.Lfunc_end0:
.L_simem_size_0:
called_computation_lowered:
.L_overlay_start_0:
0x88: {  	s2 =	sld [smem:$0x3FD9]  }
0x89: {  	s3 =	sld [smem:$0x3FFE];
	_ =	sdelay $0x1  }
0x8a: {  	s1 =	srdreg.scid  }
0x8b: {  	s0 =	sand.u32 $0x1, s1  }
0x8c: {  	s18 =	sshll.u32 s0, $0xA;
	s2 =	sadd.s32 s3, s2  }
0x8d: {  	s2 =	sadd.s32 s2, s18  }
0x8e: {  	[smem:$0x3FC7] =	sst s2  }
0x8f: {  	_ = 	snop  }
0x90: {  	s2 =	sld [smem:$0x3FC9]  }
0x91: {  	s19 =	sld [smem:$0x3FD0];
	(tm) =	ssettm $0x1  }
0x92: {  	s4 =	sld [smem:$0x3FFB];
	_ =	sdelay $0x3  }
0x93: {  	_ =	strace s4  }
0x94: {  	s4 =	sld [smem:$0x3FFC];
	_ =	sdelay $0x3  }
0x95: {  	_ =	strace s4  }
0x96: {  	s4 =	sld [smem:$0x3FFD];
	_ =	sdelay $0x3  }
0x97: {  	_ =	strace s4  }
0x98: {  	_ =	strace $0x8FFFFFFF  }
0x99: {  	s20 =	sld [smem:$0x3FDB];
	_ =	sdelay $0x1  }
0x9a: {  	s5 =	simm.s32 $_scs_section_size  }
0x9b: {  	s6 =	simm.s32 $_size__tile_overlayer_lowered;
	s7 =	simm.s32 $_tile_overlayer_lowered  }
0x9c: {  	s23 =	simm.s32 $0x1BFF;
	s22 =	sshll.u32 s7, $0x1;
	s4 =	sadd.s32 s5, s20  }
0x9d: {  	s8 =	simm.s32 $0x0;
	s21 =	sshll.u32 s6, $0x1;
	s6 =	sadd.s32 s22, s4  }
0x9e: {  	[timem:s8], [sflag:s23] =	dma.local [hbm:s6], s21  }
0x9f: {  	_ =	swait.ge [sflag:s23], s21  }
0xa0: {  	s5 =	ssub.s32 $0x0, s21;
	[sflag:s23] =	ssyncset.done $0x0  }
0xa1: {  	[sflag:s23] =	ssyncadd.s32 s5;
	_ =	sdelay $0x1  }
0xa2: {  	s24 =	simm.s32 $0x1B8B  }
0xa3: {  	_ =	swait.ge [sflag:s24], $0x1  }
0xa4: {  	[sflag:s24] =	ssyncset.done $0x0  }
0xa5: {  	s25 =	simm.s32 $0x1B8E;
	[sflag:s24] =	ssyncadd.s32 $0xFFFFFFFF  }
0xa6: {  	s26 =	simm.s32 $execute0_lowered;
	[smem:$0x3FD2] =	sst s25  }
0xa7: {  	s5 =	sshll.u32 s26, $0x1;
	_ =	strace $0x80000046;
	[dreg:$0x1] =	wrdreg $0xFFFFFFFF  }
0xa8: {  	s28 =	simm.s32 $_size_execute0_lowered;
	s4 =	sadd.s32 s4, s5;
	[dreg:$0x0] =	wrdreg $0x0  }
0xa9: {  	s5 =	sshll.u32 s28, $0x1;
	[dreg:$0x2] =	wrdreg s4  }
0xaa: {  	[dreg:$0x3] =	wrdreg s5  }
0xab: {  	[dreg:$0x4] =	wrdreg $0xC0  }
0xac: {  	_ =	task [dreg:s8], $0x5FFFF  }
0xad: {  	[dreg:$0x1] =	wrdreg $0xFFFFFFFF  }
0xae: {  	[dreg:$0x0] =	wrdreg $0x60  }
0xaf: {  	[dreg:$0x2] =	wrdreg s2  }
0xb0: {  	[dreg:$0x3] =	wrdreg s19  }
0xb1: {  	[dreg:$0x4] =	wrdreg $0x88800  }
0xb2: {  	[dreg:$0x5] =	wrdreg $0x9  }
0xb3: {  	_ =	task.clear_ibuf [dreg:s8], $0x6FFFF;
	_ =	strace $0x90000046  }
0xb4: {  	s29 =	simm.s32 $0x9;
	_ =	strace $0x80000048  }
0xb5: {  	_ =	swait.ge [sflag:s29], $0x1  }
0xb6: {  	[sflag:s29] =	ssyncadd.s32 $0xFFFFFFFF  }
0xb7: {  	_ =	strace $0x90000048  }
0xb8: {  	_ =	sfence  }
0xb9: {  	s30 =	sld [smem:$0x0];
	_ =	sdelay $0x2  }
0xba: {  	s31 =	sshll.u32 s1, $0xD;
	s1 =	sshrl.u32 s1, $0x2  }
0xbb: {  	s3 =	sand.u32 $0x4000, s31;
	s1 =	sadd.s32 s1, s30  }
0xbc: {  	s0 =	sor.u32 s3, s0;
	s1 =	sshll.u32 s1, $0x11  }
0xbd: {  	s0 =	sor.u32 s1, s0  }
0xbe: {  	s0 =	sadd.s32 $0x8F2B, s0  }
0xbf: {  	[sflag:s0] =	ssyncadd.remote.s32 $0x1  }
0xc0: {  	_ =	sfence.sel $0xFFFF  }
0xc1: {  	[dreg:$0x0] =	wrdreg $0xFFFFFFFF;
	(pc) =	sbr.abs _section_cstart, $3  }
0xc2: {  	[dreg:$0x1] =	wrdreg $0xFFFFFFFF  }
0xc3: {  	_ =	task.clear_ibuf [dreg:s8], $0x2FFFF;
	_ =	strace $0x9FFFFFFF  }
0xc4: {  	(tm) =	ssettm $0x7FFFFFFF  }
0xc5: {  	_ =	shalt  }
tec
execute0_lowered:
.L_overlay_start_1:
0x0: {  	(tag) =	ssettag $0x1  }
0x1: {  	s5 =	rddreg [dreg:$0x0]  }
0x2: {  	s15 =	rddreg [dreg:$0x1]  }
0x3: {  	s2 =	rddreg [dreg:$0x2]  }
0x4: {  	s0 =	rddreg [dreg:$0x3];
	s4 =	srdreg.scid  }
0x5: {  	s3 =	simm.s32 $0x0;
	s1 =	stileid.u32;
	s18 =	simm.s32 $0x6880  }
0x6: {  	s19 =	simm.s32 $0x80;
	s20 =	simm.s32 $0x2800;
	s21 =	simm.s32 $0x2880  }
0x7: {  	s22 =	simm.s32 $0x0;
	s6 =	sand.u32 $0x1, s4;
	s7 =	smul.u32 $0x50000, s1  }
0x8: {  	[smem:$0x7FF] =	sst s3;
	s13 =	smul.u32 $0x14000, s1;
	s4 =	sshll.u32 s6, $0x4  }
0x9: {  	_ =	strace $0x80000047;
	s8 =	ssub.s32 $0x2, s6;
	s12 =	smul.u32 $0x140000, s6  }
0xa: {  	s4 =	sor.u32 s1, s4;
	s9 =	sshrl.u32 s8, $0x1;
	s31 =	sshrl.u32 s7, $0x2  }
0xb: {  	s10 =	smul.u32 $0x500, s4;
	s16 =	ssub.s32 s8, s9;
	s4 =	sadd.s32 s31, s2  }
0xc: {  	s14 =	sadd.s32 s13, s12;
	s6 =	sadd.s32 $0x2000, s4;
	s7 =	sadd.s32 $0x4000, s4  }
0xd: {  	s8 =	sadd.s32 $0x6000, s4;
	s9 =	sadd.s32 $0x8000, s4;
	s11 =	sadd.s32 $0xC000, s4  }
0xe: {  	s12 =	sadd.s32 $0xE000, s4;
	s13 =	sadd.s32 $0x10000, s4;
	s17 =	sshrl.u32 s14, $0x3  }
0xf: {  	s14 =	sadd.s32 $0x12000, s4;
	s16 =	smax.u32 s16, $0x1;
	s5 =	sadd.s32 s5, s10  }
0x10: {  	v0 =	vimm.f32 $1.000000000e+00;
	v1 =	vimm.f32 $0.0e+00;
	s10 =	sadd.s32 $0xA000, s4;
	s15 =	sadd.s32 s15, s17;
	s17 =	simm.s32 $0x1  }
.LBB2_1:
0x11: {  	[tilespmem:s3], [sflag:$0x1] =	stream.linear.gather [hbm4b:s5+s3], $0x2800, $0x38;
	[tilespmem:$0x1C880] =	vst v63  }
0x12: {  	_ =	swait.ge [sflag:s17], $0x2800  }
0x13: {  	[sflag:s17] =	ssyncset.done $0x0  }
0x14: {  	s23 =	simm.s32 $0x0;
	s24 =	simm.s32 $0x200;
	[sflag:s17] =	ssyncadd.s32 $0xFFFFD800  }
.LBB2_2:
0x15: {  	p0 =	sne.s32 s24, $0xFE00;
	[tilespmem:s23+$0x28F0] =	vst v0  }
0x16: {  	[tilespmem:s23+$0x2880] =	vst v0  }
0x17: {  	[tilespmem:s23+$0x2890] =	vst v0  }
.Ltmp0:
0x18: {  	[tilespmem:s23+$0x28A0] =	vst v0;
	(pc) =	sbr.rel @p0 .LBB2_2-.Ltmp0, $4  }
0x19: {  	[tilespmem:s23+$0x28B0] =	vst v0  }
0x1a: {  	[tilespmem:s23+$0x28C0] =	vst v0  }
0x1b: {  	[tilespmem:s23+$0x28D0] =	vst v0  }
0x1c: {  	[tilespmem:s23+$0x28E0] =	vst v0;
	s23 =	sshra.s32 s24, $0x2;
	s24 =	sadd.s32 $0x200, s24  }
0x1d: {  	[tilespmem:s23+$0x28F0] =	vst v0  }
0x1e: {  	[tilespmem:s23+$0x2880] =	vst v0  }
0x1f: {  	[tilespmem:s23+$0x2890] =	vst v0  }
0x20: {  	[tilespmem:s23+$0x28A0] =	vst v0  }
0x21: {  	[tilespmem:s23+$0x28B0] =	vst v0  }
0x22: {  	[tilespmem:s23+$0x28C0] =	vst v0  }
0x23: {  	[tilespmem:s23+$0x28D0] =	vst v0  }
0x24: {  	[tilespmem:s23+$0x28E0] =	vst v0;
	s23 =	simm.s32 $0x0;
	s24 =	simm.s32 $0x200  }
.LBB2_4:
0x25: {  	p0 =	sne.s32 s24, $0x7E00;
	[tilespmem:s23+$0x68F0] =	vst v1  }
0x26: {  	[tilespmem:s23+$0x6880] =	vst v1  }
0x27: {  	[tilespmem:s23+$0x6890] =	vst v1  }
.Ltmp1:
0x28: {  	[tilespmem:s23+$0x68A0] =	vst v1;
	(pc) =	sbr.rel @p0 .LBB2_4-.Ltmp1, $4  }
0x29: {  	[tilespmem:s23+$0x68B0] =	vst v1  }
0x2a: {  	[tilespmem:s23+$0x68C0] =	vst v1  }
0x2b: {  	[tilespmem:s23+$0x68D0] =	vst v1  }
0x2c: {  	[tilespmem:s23+$0x68E0] =	vst v1;
	s23 =	sshra.s32 s24, $0x2;
	s24 =	sadd.s32 $0x200, s24  }
0x2d: {  	[tilespmem:s23+$0x68F0] =	vst v1  }
0x2e: {  	[tilespmem:s23+$0x6880] =	vst v1  }
0x2f: {  	[tilespmem:s23+$0x6890] =	vst v1  }
0x30: {  	[tilespmem:s23+$0x68A0] =	vst v1  }
0x31: {  	[tilespmem:s23+$0x68B0] =	vst v1  }
0x32: {  	[tilespmem:s23+$0x68C0] =	vst v1  }
0x33: {  	[tilespmem:s23+$0x68D0] =	vst v1  }
0x34: {  	[tilespmem:s23+$0x68E0] =	vst v1  }
0x35: {  	[spmem:s4] =	stream.linear.scatter [tilespmem:s18], [sflag:$0x1], $0x2000, $0x38;
	[tilespmem:$0x1C880] =	vst v63  }
0x36: {  	_ =	swait.ge [sflag:s17], $0x2000  }
0x37: {  	[sflag:s17] =	ssyncset.done $0x0  }
0x38: {  	[sflag:s17] =	ssyncadd.s32 $0xFFFFE000  }
0x39: {  	[spmem:s6] =	stream.linear.scatter [tilespmem:s18], [sflag:$0x1], $0x2000, $0x38;
	[tilespmem:$0x1C880] =	vst v63  }
0x3a: {  	_ =	swait.ge [sflag:s17], $0x2000  }
0x3b: {  	[sflag:s17] =	ssyncset.done $0x0  }
0x3c: {  	[sflag:s17] =	ssyncadd.s32 $0xFFFFE000  }
0x3d: {  	[spmem:s7] =	stream.linear.scatter [tilespmem:s18], [sflag:$0x1], $0x2000, $0x38;
	[tilespmem:$0x1C880] =	vst v63  }
0x3e: {  	_ =	swait.ge [sflag:s17], $0x2000  }
0x3f: {  	[sflag:s17] =	ssyncset.done $0x0  }
0x40: {  	[sflag:s17] =	ssyncadd.s32 $0xFFFFE000  }
0x41: {  	[spmem:s8] =	stream.linear.scatter [tilespmem:s18], [sflag:$0x1], $0x2000, $0x38;
	[tilespmem:$0x1C880] =	vst v63  }
0x42: {  	_ =	swait.ge [sflag:s17], $0x2000  }
0x43: {  	[sflag:s17] =	ssyncset.done $0x0  }
0x44: {  	[sflag:s17] =	ssyncadd.s32 $0xFFFFE000  }
0x45: {  	[spmem:s9] =	stream.linear.scatter [tilespmem:s18], [sflag:$0x1], $0x2000, $0x38;
	[tilespmem:$0x1C880] =	vst v63  }
0x46: {  	_ =	swait.ge [sflag:s17], $0x2000  }
0x47: {  	[sflag:s17] =	ssyncset.done $0x0  }
0x48: {  	[sflag:s17] =	ssyncadd.s32 $0xFFFFE000  }
0x49: {  	[spmem:s10] =	stream.linear.scatter [tilespmem:s18], [sflag:$0x1], $0x2000, $0x38;
	[tilespmem:$0x1C880] =	vst v63  }
0x4a: {  	_ =	swait.ge [sflag:s17], $0x2000  }
0x4b: {  	[sflag:s17] =	ssyncset.done $0x0  }
0x4c: {  	[sflag:s17] =	ssyncadd.s32 $0xFFFFE000  }
0x4d: {  	[spmem:s11] =	stream.linear.scatter [tilespmem:s18], [sflag:$0x1], $0x2000, $0x38;
	[tilespmem:$0x1C880] =	vst v63  }
0x4e: {  	_ =	swait.ge [sflag:s17], $0x2000  }
0x4f: {  	[sflag:s17] =	ssyncset.done $0x0  }
0x50: {  	[sflag:s17] =	ssyncadd.s32 $0xFFFFE000  }
0x51: {  	[spmem:s12] =	stream.linear.scatter [tilespmem:s18], [sflag:$0x1], $0x2000, $0x38;
	[tilespmem:$0x1C880] =	vst v63  }
0x52: {  	_ =	swait.ge [sflag:s17], $0x2000  }
0x53: {  	[sflag:s17] =	ssyncset.done $0x0  }
0x54: {  	[sflag:s17] =	ssyncadd.s32 $0xFFFFE000  }
0x55: {  	[spmem:s13] =	stream.linear.scatter [tilespmem:s18], [sflag:$0x1], $0x2000, $0x38;
	[tilespmem:$0x1C880] =	vst v63  }
0x56: {  	_ =	swait.ge [sflag:s17], $0x2000  }
0x57: {  	[sflag:s17] =	ssyncset.done $0x0  }
0x58: {  	[sflag:s17] =	ssyncadd.s32 $0xFFFFE000  }
0x59: {  	[spmem:s14] =	stream.linear.scatter [tilespmem:s18], [sflag:$0x1], $0x2000, $0x38;
	[tilespmem:$0x1C880] =	vst v63  }
0x5a: {  	_ =	swait.ge [sflag:s17], $0x2000  }
0x5b: {  	[sflag:s17] =	ssyncset.done $0x0  }
0x5c: {  	[sflag:s17] =	ssyncadd.s32 $0xFFFFE000  }
0x5d: {  	s31 =	simm.s32 $0x0;
	[bflag:$0x0] =	sbarrier.arrive $0xFFFF  }
0x5e: {  	v2 =	vld [tilespmem:s31+$0x0];
	_ =	sdelay $0x4  }
0x5f: {  	[tilespmem:$0x2800] =	vst v2  }
0x60: {  	v2 =	vld [tilespmem:s31+$0x10];
	_ =	sdelay $0x4  }
0x61: {  	[tilespmem:$0x2810] =	vst v2  }
0x62: {  	v2 =	vld [tilespmem:s31+$0x20];
	_ =	sdelay $0x4  }
0x63: {  	[tilespmem:$0x2820] =	vst v2  }
0x64: {  	v2 =	vld [tilespmem:s31+$0x30];
	_ =	sdelay $0x4  }
0x65: {  	[tilespmem:$0x2830] =	vst v2  }
0x66: {  	v2 =	vld [tilespmem:s31+$0x40];
	_ =	sdelay $0x4  }
0x67: {  	[tilespmem:$0x2840] =	vst v2  }
0x68: {  	v2 =	vld [tilespmem:s31+$0x50];
	_ =	sdelay $0x4  }
0x69: {  	[tilespmem:$0x2850] =	vst v2  }
0x6a: {  	v2 =	vld [tilespmem:s31+$0x60];
	_ =	sdelay $0x4  }
0x6b: {  	[tilespmem:$0x2860] =	vst v2  }
0x6c: {  	v2 =	vld [tilespmem:s31+$0x70];
	_ =	sdelay $0x4  }
0x6d: {  	[tilespmem:$0x2870] =	vst v2  }
0x6e: {  	[spmem:s2] =	stream.indirect.scatter.add.f32 [tilespmem:s21], [sflag:$0x1], $0x80, s20, s19, $0xb8;
	[tilespmem:$0x1C880] =	vst v63  }
0x6f: {  	_ =	swait.ge [sflag:s17], $0x4000  }
0x70: {  	s23 =	simm.s32 $0x200;
	s25 =	simm.s32 $0x400;
	[sflag:s17] =	ssyncset.done $0x0  }
.LBB2_6:
0x71: {  	s26 =	sshra.s32 s23, $0x2  }
0x72: {  	[sflag:s17] =	ssyncadd.s32 $0xFFFFC000;
	s23 =	smov.u32 s25;
	s24 =	sadd.s32 $0x200, s25  }
0x73: {  	p0 =	sne.s32 s25, $0x9E00;
	v2 =	vld [tilespmem:s26+$0x0];
	_ =	sdelay $0x4  }
0x74: {  	[tilespmem:$0x2800] =	vst v2  }
0x75: {  	v2 =	vld [tilespmem:s26+$0x10];
	_ =	sdelay $0x4  }
0x76: {  	[tilespmem:$0x2810] =	vst v2  }
0x77: {  	v2 =	vld [tilespmem:s26+$0x20];
	_ =	sdelay $0x4  }
0x78: {  	[tilespmem:$0x2820] =	vst v2  }
0x79: {  	v2 =	vld [tilespmem:s26+$0x30];
	_ =	sdelay $0x4  }
0x7a: {  	[tilespmem:$0x2830] =	vst v2  }
0x7b: {  	v2 =	vld [tilespmem:s26+$0x40];
	_ =	sdelay $0x4  }
0x7c: {  	[tilespmem:$0x2840] =	vst v2  }
0x7d: {  	v2 =	vld [tilespmem:s26+$0x50];
	_ =	sdelay $0x4  }
0x7e: {  	[tilespmem:$0x2850] =	vst v2  }
0x7f: {  	v2 =	vld [tilespmem:s26+$0x60];
	_ =	sdelay $0x4  }
0x80: {  	[tilespmem:$0x2860] =	vst v2  }
0x81: {  	v2 =	vld [tilespmem:s26+$0x70];
	_ =	sdelay $0x3  }
.Ltmp2:
0x82: {  	(pc) =	sbr.rel @p0 .LBB2_6-.Ltmp2, $4  }
0x83: {  	[tilespmem:$0x2870] =	vst v2  }
0x84: {  	[spmem:s2] =	stream.indirect.scatter.add.f32 [tilespmem:s21], [sflag:$0x1], $0x80, s20, s19, $0xb8;
	[tilespmem:$0x1C880] =	vst v63  }
0x85: {  	_ =	swait.ge [sflag:s17], $0x4000  }
0x86: {  	s25 =	smov.u32 s24;
	[sflag:s17] =	ssyncset.done $0x0  }
0x87: {  	s23 =	sshra.s32 s23, $0x2;
	[sflag:s17] =	ssyncadd.s32 $0xFFFFC000  }
0x88: {  	v2 =	vld [tilespmem:s23+$0x0];
	_ =	sdelay $0x4  }
0x89: {  	[tilespmem:$0x2800] =	vst v2  }
0x8a: {  	v2 =	vld [tilespmem:s23+$0x10];
	_ =	sdelay $0x4  }
0x8b: {  	[tilespmem:$0x2810] =	vst v2  }
0x8c: {  	v2 =	vld [tilespmem:s23+$0x20];
	_ =	sdelay $0x4  }
0x8d: {  	[tilespmem:$0x2820] =	vst v2  }
0x8e: {  	v2 =	vld [tilespmem:s23+$0x30];
	_ =	sdelay $0x4  }
0x8f: {  	[tilespmem:$0x2830] =	vst v2  }
0x90: {  	v2 =	vld [tilespmem:s23+$0x40];
	_ =	sdelay $0x4  }
0x91: {  	[tilespmem:$0x2840] =	vst v2  }
0x92: {  	v2 =	vld [tilespmem:s23+$0x50];
	_ =	sdelay $0x4  }
0x93: {  	[tilespmem:$0x2850] =	vst v2  }
0x94: {  	v2 =	vld [tilespmem:s23+$0x60];
	_ =	sdelay $0x4  }
0x95: {  	[tilespmem:$0x2860] =	vst v2  }
0x96: {  	v2 =	vld [tilespmem:s23+$0x70];
	_ =	sdelay $0x4  }
0x97: {  	[tilespmem:$0x2870] =	vst v2  }
0x98: {  	[spmem:s2] =	stream.indirect.scatter.add.f32 [tilespmem:s21], [sflag:$0x1], $0x80, s20, s19, $0xb8;
	[tilespmem:$0x1C880] =	vst v63  }
0x99: {  	_ =	swait.ge [sflag:s17], $0x4000  }
0x9a: {  	s31 =	sshll.u32 s1, $0x6;
	s22 =	sadd.s32 $0x1, s22;
	[sflag:s17] =	ssyncset.done $0x0  }
0x9b: {  	s24 =	sshrl.u32 s4, $0x3;
	p0 =	sne.s32 s22, s16;
	[sflag:s17] =	ssyncadd.s32 $0xFFFFC000  }
.Ltmp3:
0x9c: {  	s23 =	sor.u32 $0x1C01, s31;
	[bflag:$0x0] =	sbarrier.arrive $0xFFFF;
	(pc) =	sbr.rel @p0 .LBB2_1-.Ltmp3, $4  }
0x9d: {  	[hbm:s15], [sflag:s23] =	dma.local [spmem:s24], $0x2800  }
0x9e: {  	_ =	swait.ge [sflag:s17], $0x2800  }
0x9f: {  	[sflag:s17] =	ssyncset.done $0x0  }
0xa0: {  	[sflag:s17] =	ssyncadd.s32 $0xFFFFD800  }
0xa1: {  	_ =	sfence.sel $0x180000  }
0xa2: {  	[bflag:$0x0] =	sbarrier.arrive $0xFFFF  }
0xa3: {  	p0 =	sne.s32 s1, $0x0;
	_ =	strace $0x90000047  }
0xa4: {  	s0 =	sadd.s32 @!p0 $0x100000, s0;
	[bflag:$0x2] =	sbarrier.arrive $0xFFFF  }
0xa5: {  	[sflag:s0] =	ssyncadd.tile.s32 @!p0 $0x1;
	_ =	shalt  }
.Lfunc_end2:
_tile_overlayer_lowered:
.L_overlay_start_2:
0xa6: {  	(tag) =	ssettag $0x2  }
0xa7: {  	s0 =	rddreg [dreg:$0x0];
	s2 =	stileid.u32  }
0xa8: {  	s1 =	rddreg [dreg:$0x1];
	p0 =	sne.s32 s2, $0x0  }
0xa9: {  	s3 =	rddreg [dreg:$0x2];
	[bflag:$0x3] =	sbarrier.arrive $0xFFFF;
	s2 =	simm.s32 @!p0 $0x1C01  }
0xaa: {  	[timem:s3], [sflag:s2] =	dma.local @!p0 [hbm:s0], s1  }
0xab: {  	s0 =	simm.s32 @!p0 $0x1  }
0xac: {  	_ =	swait.ge @!p0 [sflag:s0], s1  }
0xad: {  	s1 =	ssub.s32 @!p0 $0x0, s1;
	[sflag:s0] =	ssyncset.done @!p0 $0x0  }
0xae: {  	[sflag:s0] =	ssyncadd.s32 @!p0 s1  }
0xaf: {  	[bflag:$0x3] =	sbarrier.arrive $0xFFFF  }
0xb0: {  	_ =	shalt  }

</sc_bundles>
